<compile_context>
chip_gen: v7x
topology: tpu7x:2x2x1
jax: 0.10.2.dev20260603
libtpu: 0.0.44.dev20260713+nightly
codegen_flags: <defaults>
</compile_context>

<pallas_src>
import jax
import jax.numpy as jnp
from jax import lax
from jax.experimental import pallas as pl
from jax.experimental.pallas import tpu as pltpu
from jax.experimental.pallas import tpu_sc as plsc

NC = 2
NS = 16
L = 16
NW = NC * NS

B, H, D = 64, 16, 32768
ROWS = B * H
ROWS_PER_W = ROWS // NW
NCH = D // L
G = 4
NG = NCH // G
CAP = 2048
N_BISECT = 25


def _body(x_hbm, out_hbm, xb0, xb1, zbuf, tbuf, hitbuf, cbuf, ib0, ib1,
          sin0, sin1, sout):
    wid = lax.axis_index("s") * NC + lax.axis_index("c")
    base_row = wid * ROWS_PER_W
    ar16 = lax.broadcasted_iota(jnp.int32, (L,), 0)
    zeros16 = jnp.zeros((L,), jnp.float32)
    zeros16i = jnp.zeros((L,), jnp.int32)

    def _z(i, c):
        zbuf[pl.ds(i * L, L)] = zeros16
        return c
    lax.fori_loop(0, (D + L) // L, _z, 0)

    pltpu.async_copy(x_hbm.at[base_row], xb0, sin0)

    def process(r, xcur, xnext, sin_cur, sin_next, ib_cur, ib_prev, prev_nch):
        row = base_row + r
        pltpu.make_async_copy(x_hbm.at[row], xcur, sin_cur).wait()

        @pl.when(r + 1 < ROWS_PER_W)
        def _start_next():
            pltpu.async_copy(x_hbm.at[row + 1], xnext, sin_next)

        tcol = ar16 * NG

        @plsc.parallel_loop(0, NG, unroll=2, carry=jnp.full((L,), -jnp.inf, jnp.float32))
        def acc16(g, acc):
            base = g * (G * L)
            gacc = xcur[pl.ds(base, L)]
            for j in range(1, G):
                gacc = jnp.maximum(gacc, xcur[pl.ds(base + j * L, L)])
            plsc.store_scatter(tbuf, [tcol + g], gacc)
            return jnp.maximum(acc, gacc)
        row_max = jnp.max(acc16)
        thr = row_max - 1.0
        rm16 = jnp.full((L,), row_max, jnp.float32)

        @plsc.parallel_loop(0, NG // L, carry=jnp.int32(0))
        def ngh(k, ngh):
            gbase = k * L
            gm = tbuf[pl.ds(gbase, L)]
            for l in range(1, L):
                gm = jnp.maximum(gm, tbuf[pl.ds(l * NG + gbase, L)])
            mask = gm > thr
            plsc.store_compressed(hitbuf.at[pl.ds(ngh, L)], gbase + ar16, mask=mask)
            return ngh + plsc.all_reduce_population_count(mask)[0]

        @plsc.parallel_loop(0, ngh, carry=jnp.int32(0))
        def m(k, m):
            g = plsc.load_gather(hitbuf, [jnp.full((L,), k, jnp.int32)])[0]
            base = g * (G * L)
            for j in range(G):
                v = xcur[pl.ds(base + j * L, L)]
                mask = v > thr
                mc = jnp.minimum(m, CAP)
                plsc.store_compressed(cbuf.at[pl.ds(mc, L)], v - rm16, mask=mask)
                plsc.store_compressed(ib_cur.at[pl.ds(mc, L)],
                                      base + j * L + ar16, mask=mask)
                m = m + plsc.all_reduce_population_count(mask)[0]
            return m

        minm = jnp.minimum(m, CAP)
        plsc.store_scatter(cbuf, [minm + ar16], jnp.full((L,), -2.0, jnp.float32))
        plsc.store_scatter(ib_cur, [minm + ar16], jnp.full((L,), D, jnp.int32) + ar16)

        def make_solver(read_chunk, nch):
            def solve():
                def bis(_, lohi):
                    lo, hi = lohi
                    mid = 0.5 * (lo + hi)

                    def ch(i, a16):
                        return a16 + jnp.maximum(read_chunk(i) - mid, 0.0)
                    f = jnp.sum(lax.fori_loop(0, nch, ch, zeros16)) - 1.0
                    gez = f >= 0.0
                    return (jnp.where(gez, mid, lo), jnp.where(gez, hi, mid))

                lo, _ = lax.fori_loop(0, N_BISECT, bis,
                                      (jnp.float32(-1.0), jnp.float32(0.0)))

                def rec(i, sk):
                    s16, k16 = sk
                    c = read_chunk(i)
                    sel = c > lo
                    return (s16 + jnp.where(sel, c, 0.0), k16 + sel.astype(jnp.int32))
                s16, k16 = lax.fori_loop(0, nch, rec, (zeros16, zeros16i))
                num = jnp.full((L,), jnp.sum(s16) - 1.0, jnp.float32)
                den = jnp.full((L,), jnp.sum(k16).astype(jnp.float32), jnp.float32)
                return num / den
            return solve

        fast = m <= CAP
        nch_c = (minm + (L - 1)) >> 4
        tau = lax.cond(
            fast,
            make_solver(lambda i: cbuf[pl.ds(i * L, L)], nch_c),
            make_solver(lambda i: xcur[pl.ds(i * L, L)] - row_max, NCH),
        )

        @pl.when(r > 0)
        def _drain_prev():
            pltpu.make_async_copy(zbuf.at[pl.ds(0, D)],
                                  out_hbm.at[row - 1], sout).wait()

            def rz_sparse(_):
                def rz(i, c):
                    gi = ib_prev[pl.ds(i * L, L)]
                    plsc.store_scatter(zbuf, [gi], zeros16)
                    return c
                return lax.fori_loop(0, prev_nch, rz, 0)

            def rz_full(_):
                return lax.fori_loop(0, NCH, _z, 0)

            lax.cond(prev_nch >= 0, rz_sparse, rz_full, 0)

        def out_fast(_):
            def sc(i, c):
                cv = cbuf[pl.ds(i * L, L)]
                gi = ib_cur[pl.ds(i * L, L)]
                plsc.store_scatter(zbuf, [gi], jnp.maximum(cv - tau, 0.0))
                return c
            lax.fori_loop(0, nch_c, sc, 0)
            return nch_c

        def out_slow(_):
            t_raw = jnp.full((L,), row_max, jnp.float32) + tau

            def dn(i, c):
                zbuf[pl.ds(i * L, L)] = jnp.maximum(xcur[pl.ds(i * L, L)] - t_raw, 0.0)
                return c
            lax.fori_loop(0, NCH, dn, 0)
            return jnp.int32(-1)

        new_nch = lax.cond(fast, out_fast, out_slow, 0)
        pltpu.async_copy(zbuf.at[pl.ds(0, D)], out_hbm.at[row], sout)
        return new_nch

    def pair(i, prev_nch):
        r0 = 2 * i
        prev_nch = process(r0, xb0, xb1, sin0, sin1, ib0, ib1, prev_nch)
        prev_nch = process(r0 + 1, xb1, xb0, sin1, sin0, ib1, ib0, prev_nch)
        return prev_nch

    lax.fori_loop(0, ROWS_PER_W // 2, pair, jnp.int32(0))
    pltpu.make_async_copy(zbuf.at[pl.ds(0, D)],
                          out_hbm.at[base_row + ROWS_PER_W - 1], sout).wait()


@jax.jit
def kernel(x):
    x2 = x.reshape(ROWS, D)
    mesh = plsc.VectorSubcoreMesh(core_axis_name="c", subcore_axis_name="s")
    out = pl.kernel(
        _body,
        out_type=jax.ShapeDtypeStruct((ROWS, D), jnp.float32),
        mesh=mesh,
        compiler_params=pltpu.CompilerParams(needs_layout_passes=False),
        scratch_types=[
            pltpu.VMEM((D,), jnp.float32),
            pltpu.VMEM((D,), jnp.float32),
            pltpu.VMEM((D + L,), jnp.float32),
            pltpu.VMEM((NG * L,), jnp.float32),
            pltpu.VMEM((NG,), jnp.int32),
            pltpu.VMEM((CAP + L,), jnp.float32),
            pltpu.VMEM((CAP + L,), jnp.int32),
            pltpu.VMEM((CAP + L,), jnp.int32),
            pltpu.SemaphoreType.DMA,
            pltpu.SemaphoreType.DMA,
            pltpu.SemaphoreType.DMA,
        ],
    )(x2)
    return out.reshape(B, H, D)

# --- scband reference (transcript-rebuilt; emitter-appended) ---
"""Pipeline reference for scband-soft-thresholding-operation-18691697672778 (READ-ONLY COPY).

The authoritative reference and input builder live on the scoring server;
editing this copy changes nothing except your own understanding.
"""

import jax, jax.numpy as jnp
import numpy as np

DIM = 2
TOPK = 128


def _sparsemax(s, axis):
    # subtract max for numerical stability (as in torch forward)
    s = s - jnp.max(s, axis=axis, keepdims=True)
    # full descending sort: mathematically identical to the topk-with-doubling-fallback
    # path in tau_support (the recursion converges to the exact sparsemax threshold)
    srt = -jnp.sort(-s, axis=axis)
    cs = jnp.cumsum(srt, axis=axis) - 1.0
    d = s.shape[axis]
    shape = [1] * s.ndim
    shape[axis] = d
    ar = jnp.arange(1, d + 1, dtype=s.dtype).reshape(shape)
    support = ar * srt > cs
    support_size = jnp.sum(support, axis=axis, keepdims=True)
    tau = jnp.take_along_axis(cs, support_size - 1, axis=axis)
    tau = tau / support_size.astype(s.dtype)
    return jnp.clip(s - tau, 0.0, None)


def setup_inputs(seed: int = 0) -> dict:
    key = jax.random.key(seed)
    x = jax.random.normal(key, (64, 16, 32768), dtype=jnp.float32)
    return {"x": x}


def reference(x):
    return _sparsemax(x, DIM)

if __name__ == "__main__":
    import jax
    _d = setup_inputs()
    print(jax.jit(kernel)(*tuple(_d.values())))

</pallas_src>

<mosaic_0001>
#map = affine_map<(d0, d1) -> (0, 0)>
module attributes {stable_mosaic.version = 14 : i64} {
  func.func @_body(%arg0: i32, %arg1: i32, %arg2: memref<1024x32768xf32, #tpu.memory_space<hbm>>, %arg3: memref<1024x32768xf32, #tpu.memory_space<hbm>>, %arg4: memref<32768xf32, #tpu.memory_space<vmem>>, %arg5: memref<32768xf32, #tpu.memory_space<vmem>>, %arg6: memref<32784xf32, #tpu.memory_space<vmem>>, %arg7: memref<8192xf32, #tpu.memory_space<vmem>>, %arg8: memref<512xi32, #tpu.memory_space<vmem>>, %arg9: memref<2064xf32, #tpu.memory_space<vmem>>, %arg10: memref<2064xi32, #tpu.memory_space<vmem>>, %arg11: memref<2064xi32, #tpu.memory_space<vmem>>, %arg12: memref<!tpu.dma_semaphore, #tpu.memory_space<semaphore_mem>>, %arg13: memref<!tpu.dma_semaphore, #tpu.memory_space<semaphore_mem>>, %arg14: memref<!tpu.dma_semaphore, #tpu.memory_space<semaphore_mem>>) attributes {dimension_semantics = [#tpu.dimension_semantics<core_parallel>, #tpu.dimension_semantics<subcore_parallel>], iteration_bounds = array<i64: 2, 16>, scalar_prefetch = 0 : i64, scratch_operands = 11 : i64, tpu.core_type = #tpu.core_type<sc_vector_subcore>, window_params = [{transform_indices = #map}, {transform_indices = #map}]} {
    %mul3A = arith.constant 2 : i32
    %mul3A_0 = arith.muli %arg1, %mul3A : i32
    %add3A = arith.addi %mul3A_0, %arg0 : i32
    %mul3A_1 = arith.constant 32 : i32
    %mul3A_2 = arith.muli %add3A, %mul3A_1 : i32
    %iota3A = tpu.iota {dimensions = array<i32: 0>} : vector<16xi32>
    %broadcast_in_dim3A = arith.constant 0.000000e+00 : f32
    %broadcast_in_dim3A_3 = vector.broadcast %broadcast_in_dim3A : f32 to vector<16xf32>
    %broadcast_in_dim3A_4 = arith.constant 0 : i32
    %broadcast_in_dim3A_5 = vector.broadcast %broadcast_in_dim3A_4 : i32 to vector<16xi32>
    %scan3A = arith.constant 0 : i32
    %scan3A_6 = arith.constant 0 : i32
    %scan3A_7 = arith.constant 2049 : i32
    %scan3A_8 = arith.addi %scan3A_6, %scan3A_7 : i32
    %scan3A_9 = arith.constant 1 : i32
    scf.for %scan3A_35 = %scan3A_6 to %scan3A_8 step %scan3A_9  : i32 {
      %mul3A_36 = arith.constant 16 : i32
      %mul3A_37 = arith.muli %scan3A_35, %mul3A_36 : i32
      %swap3A = arith.index_cast %mul3A_37 : i32 to index
      %swap3A_38 = tpu.vector_load %arg6[%swap3A] {strides = array<i32>} : memref<32784xf32, #tpu.memory_space<vmem>>, vector<16xf32>,
      tpu.vector_store %arg6[%swap3A], %broadcast_in_dim3A_3 {strides = array<i32>} : memref<32784xf32, #tpu.memory_space<vmem>>, vector<16xf32>,
    }
    %scan3A_10 = arith.constant 2049 : i32
    %dma_start3A = arith.constant 0 : i32
    %dma_start3A_11 = tpu.memref_slice %arg2[%mul3A_2, %dma_start3A] : memref<1024x32768xf32, #tpu.memory_space<hbm>> -> memref<1x32768xf32, #tpu.memory_space<hbm>>
    %dma_start3A_12 = tpu.memref_squeeze %dma_start3A_11 : memref<1x32768xf32, #tpu.memory_space<hbm>> -> memref<32768xf32, #tpu.memory_space<hbm>>
    %dma_start3A_13 = arith.constant 0 : i32
    %dma_start3A_14 = tpu.memref_slice %arg2[%mul3A_2, %dma_start3A_13] : memref<1024x32768xf32, #tpu.memory_space<hbm>> -> memref<1x32768xf32, #tpu.memory_space<hbm>>
    %dma_start3A_15 = tpu.memref_squeeze %dma_start3A_14 : memref<1x32768xf32, #tpu.memory_space<hbm>> -> memref<32768xf32, #tpu.memory_space<hbm>>
    tpu.enqueue_dma source(%dma_start3A_15 : memref<32768xf32, #tpu.memory_space<hbm>>) target(%arg4 : memref<32768xf32, #tpu.memory_space<vmem>>) target_semaphore(%arg12 : memref<!tpu.dma_semaphore, #tpu.memory_space<semaphore_mem>>)
    %scan3A_16 = arith.constant 0 : i32
    %scan3A_17 = arith.constant 0 : i32
    %scan3A_18 = arith.constant 16 : i32
    %scan3A_19 = arith.addi %scan3A_17, %scan3A_18 : i32
    %scan3A_20 = arith.constant 1 : i32
    %scan3A_21 = scf.for %scan3A_35 = %scan3A_17 to %scan3A_19 step %scan3A_20 iter_args(%scan3A_36 = %scan3A_16) -> (i32)  : i32 {
      %mul3A_37 = arith.constant 2 : i32
      %mul3A_38 = arith.muli %mul3A_37, %scan3A_35 : i32
      %add3A_39 = arith.addi %mul3A_2, %mul3A_38 : i32
      %dma_wait3A_40 = arith.constant 0 : i32
      %dma_wait3A_41 = tpu.memref_slice %arg2[%add3A_39, %dma_wait3A_40] : memref<1024x32768xf32, #tpu.memory_space<hbm>> -> memref<1x32768xf32, #tpu.memory_space<hbm>>
      %dma_wait3A_42 = tpu.memref_squeeze %dma_wait3A_41 : memref<1x32768xf32, #tpu.memory_space<hbm>> -> memref<32768xf32, #tpu.memory_space<hbm>>
      %dma_wait3A_43 = arith.constant 0 : i32
      %dma_wait3A_44 = tpu.memref_slice %arg2[%add3A_39, %dma_wait3A_43] : memref<1024x32768xf32, #tpu.memory_space<hbm>> -> memref<1x32768xf32, #tpu.memory_space<hbm>>
      %dma_wait3A_45 = tpu.memref_squeeze %dma_wait3A_44 : memref<1x32768xf32, #tpu.memory_space<hbm>> -> memref<32768xf32, #tpu.memory_space<hbm>>
      tpu.wait_dma2 semaphore(%arg12 : memref<!tpu.dma_semaphore, #tpu.memory_space<semaphore_mem>>) src(%dma_wait3A_45 : memref<32768xf32, #tpu.memory_space<hbm>>) dst(%arg4 : memref<32768xf32, #tpu.memory_space<vmem>>)
      %add3A_46 = arith.constant 1 : i32
      %add3A_47 = arith.addi %mul3A_38, %add3A_46 : i32
      %lt3A = arith.constant 32 : i32
      %lt3A_48 = arith.cmpi slt, %add3A_47, %lt3A : i32
      %convert_element_type3A = arith.extui %lt3A_48 : i1 to i32
      %cond3A = arith.constant 0 : i32
      %cond3A_49 = arith.cmpi ne, %convert_element_type3A, %cond3A : i32
      scf.if %cond3A_49 {
        %add3A_192 = arith.constant 1 : i32
        %add3A_193 = arith.addi %add3A_39, %add3A_192 : i32
        %dma_start3A_194 = arith.constant 0 : i32
        %dma_start3A_195 = tpu.memref_slice %arg2[%add3A_193, %dma_start3A_194] : memref<1024x32768xf32, #tpu.memory_space<hbm>> -> memref<1x32768xf32, #tpu.memory_space<hbm>>
        %dma_start3A_196 = tpu.memref_squeeze %dma_start3A_195 : memref<1x32768xf32, #tpu.memory_space<hbm>> -> memref<32768xf32, #tpu.memory_space<hbm>>
        %dma_start3A_197 = arith.constant 0 : i32
        %dma_start3A_198 = tpu.memref_slice %arg2[%add3A_193, %dma_start3A_197] : memref<1024x32768xf32, #tpu.memory_space<hbm>> -> memref<1x32768xf32, #tpu.memory_space<hbm>>
        %dma_start3A_199 = tpu.memref_squeeze %dma_start3A_198 : memref<1x32768xf32, #tpu.memory_space<hbm>> -> memref<32768xf32, #tpu.memory_space<hbm>>
        tpu.enqueue_dma source(%dma_start3A_199 : memref<32768xf32, #tpu.memory_space<hbm>>) target(%arg5 : memref<32768xf32, #tpu.memory_space<vmem>>) target_semaphore(%arg13 : memref<!tpu.dma_semaphore, #tpu.memory_space<semaphore_mem>>)
      } else {
      }
      %mul3A_50 = arith.constant 512 : i32
      %mul3A_51 = vector.broadcast %mul3A_50 : i32 to vector<16xi32>
      %mul3A_52 = arith.muli %iota3A, %mul3A_51 : vector<16xi32>
      %broadcast_in_dim3A_53 = arith.constant 0xFF800000 : f32
      %broadcast_in_dim3A_54 = vector.broadcast %broadcast_in_dim3A_53 : f32 to vector<16xf32>
      %parallel_loop3A = arith.constant 0 : i32
      %parallel_loop3A_55 = arith.constant 512 : i32
      %parallel_loop3A_56 = arith.constant 1 : i32
      %parallel_loop3A_57 = scf.for %parallel_loop3A_192 = %parallel_loop3A to %parallel_loop3A_55 step %parallel_loop3A_56 iter_args(%parallel_loop3A_193 = %broadcast_in_dim3A_54) -> (vector<16xf32>)  : i32 {
        %parallel_loop3A_194 = arith.constant 64 : i32
        %parallel_loop3A_195 = arith.muli %parallel_loop3A_192, %parallel_loop3A_194 : i32
        %parallel_loop3A_196 = arith.index_cast %parallel_loop3A_195 : i32 to index
        %parallel_loop3A_197 = tpu.vector_load %arg4[%parallel_loop3A_196] {strides = array<i32>} : memref<32768xf32, #tpu.memory_space<vmem>>, vector<16xf32>,
        %parallel_loop3A_198 = arith.constant 16 : i32
        %parallel_loop3A_199 = arith.addi %parallel_loop3A_195, %parallel_loop3A_198 : i32
        %parallel_loop3A_200 = arith.index_cast %parallel_loop3A_199 : i32 to index
        %parallel_loop3A_201 = tpu.vector_load %arg4[%parallel_loop3A_200] {strides = array<i32>} : memref<32768xf32, #tpu.memory_space<vmem>>, vector<16xf32>,
        %parallel_loop3A_202 = arith.maximumf %parallel_loop3A_197, %parallel_loop3A_201 : vector<16xf32>
        %parallel_loop3A_203 = arith.constant 32 : i32
        %parallel_loop3A_204 = arith.addi %parallel_loop3A_195, %parallel_loop3A_203 : i32
        %parallel_loop3A_205 = arith.index_cast %parallel_loop3A_204 : i32 to index
        %parallel_loop3A_206 = tpu.vector_load %arg4[%parallel_loop3A_205] {strides = array<i32>} : memref<32768xf32, #tpu.memory_space<vmem>>, vector<16xf32>,
        %parallel_loop3A_207 = arith.maximumf %parallel_loop3A_202, %parallel_loop3A_206 : vector<16xf32>
        %parallel_loop3A_208 = arith.constant 48 : i32
        %parallel_loop3A_209 = arith.addi %parallel_loop3A_195, %parallel_loop3A_208 : i32
        %parallel_loop3A_210 = arith.index_cast %parallel_loop3A_209 : i32 to index
        %parallel_loop3A_211 = tpu.vector_load %arg4[%parallel_loop3A_210] {strides = array<i32>} : memref<32768xf32, #tpu.memory_space<vmem>>, vector<16xf32>,
        %parallel_loop3A_212 = arith.maximumf %parallel_loop3A_207, %parallel_loop3A_211 : vector<16xf32>
        %parallel_loop3A_213 = vector.broadcast %parallel_loop3A_192 : i32 to vector<16xi32>
        %parallel_loop3A_214 = arith.addi %mul3A_52, %parallel_loop3A_213 : vector<16xi32>
        tpu.vector_store_idx %arg7[%parallel_loop3A_214], %parallel_loop3A_212 : memref<8192xf32, #tpu.memory_space<vmem>>[vector<16xi32>], vector<16xf32>,
        %parallel_loop3A_215 = arith.maximumf %parallel_loop3A_193, %parallel_loop3A_212 : vector<16xf32>
        scf.yield %parallel_loop3A_215 : vector<16xf32>
      } {sc.loop_unroll_factor = 2 : i64, sc.parallel_access}
      %reduce_max3A = arith.constant true
      %reduce_max3A_58 = vector.broadcast %reduce_max3A : i1 to vector<16xi1>
      %reduce_max3A_59 = tpu.scan <max>, %parallel_loop3A_57 masked %reduce_max3A_58 : vector<16xf32>, vector<16xi1> -> vector<16xf32>
      %reduce_max3A_60 = vector.extract %reduce_max3A_59[15] : f32 from vector<16xf32>
      %sub3A_61 = arith.constant 1.000000e+00 : f32
      %sub3A_62 = arith.subf %reduce_max3A_60, %sub3A_61 : f32
      %broadcast_in_dim3A_63 = vector.broadcast %reduce_max3A_60 : f32 to vector<16xf32>
      %parallel_loop3A_64 = arith.constant 0 : i32
      %parallel_loop3A_65 = arith.constant 32 : i32
      %parallel_loop3A_66 = arith.constant 1 : i32
      %parallel_loop3A_67 = arith.constant 0 : i32
      %parallel_loop3A_68 = scf.for %parallel_loop3A_192 = %parallel_loop3A_64 to %parallel_loop3A_65 step %parallel_loop3A_66 iter_args(%parallel_loop3A_193 = %parallel_loop3A_67) -> (i32)  : i32 {
        %parallel_loop3A_194 = arith.constant 16 : i32
        %parallel_loop3A_195 = arith.muli %parallel_loop3A_192, %parallel_loop3A_194 : i32
        %parallel_loop3A_196 = arith.index_cast %parallel_loop3A_195 : i32 to index
        %parallel_loop3A_197 = tpu.vector_load %arg7[%parallel_loop3A_196] {strides = array<i32>} : memref<8192xf32, #tpu.memory_space<vmem>>, vector<16xf32>,
        %parallel_loop3A_198 = arith.constant 512 : i32
        %parallel_loop3A_199 = arith.addi %parallel_loop3A_198, %parallel_loop3A_195 : i32
        %parallel_loop3A_200 = arith.index_cast %parallel_loop3A_199 : i32 to index
        %parallel_loop3A_201 = tpu.vector_load %arg7[%parallel_loop3A_200] {strides = array<i32>} : memref<8192xf32, #tpu.memory_space<vmem>>, vector<16xf32>,
        %parallel_loop3A_202 = arith.maximumf %parallel_loop3A_197, %parallel_loop3A_201 : vector<16xf32>
        %parallel_loop3A_203 = arith.constant 1024 : i32
        %parallel_loop3A_204 = arith.addi %parallel_loop3A_203, %parallel_loop3A_195 : i32
        %parallel_loop3A_205 = arith.index_cast %parallel_loop3A_204 : i32 to index
        %parallel_loop3A_206 = tpu.vector_load %arg7[%parallel_loop3A_205] {strides = array<i32>} : memref<8192xf32, #tpu.memory_space<vmem>>, vector<16xf32>,
        %parallel_loop3A_207 = arith.maximumf %parallel_loop3A_202, %parallel_loop3A_206 : vector<16xf32>
        %parallel_loop3A_208 = arith.constant 1536 : i32
        %parallel_loop3A_209 = arith.addi %parallel_loop3A_208, %parallel_loop3A_195 : i32
        %parallel_loop3A_210 = arith.index_cast %parallel_loop3A_209 : i32 to index
        %parallel_loop3A_211 = tpu.vector_load %arg7[%parallel_loop3A_210] {strides = array<i32>} : memref<8192xf32, #tpu.memory_space<vmem>>, vector<16xf32>,
        %parallel_loop3A_212 = arith.maximumf %parallel_loop3A_207, %parallel_loop3A_211 : vector<16xf32>
        %parallel_loop3A_213 = arith.constant 2048 : i32
        %parallel_loop3A_214 = arith.addi %parallel_loop3A_213, %parallel_loop3A_195 : i32
        %parallel_loop3A_215 = arith.index_cast %parallel_loop3A_214 : i32 to index
        %parallel_loop3A_216 = tpu.vector_load %arg7[%parallel_loop3A_215] {strides = array<i32>} : memref<8192xf32, #tpu.memory_space<vmem>>, vector<16xf32>,
        %parallel_loop3A_217 = arith.maximumf %parallel_loop3A_212, %parallel_loop3A_216 : vector<16xf32>
        %parallel_loop3A_218 = arith.constant 2560 : i32
        %parallel_loop3A_219 = arith.addi %parallel_loop3A_218, %parallel_loop3A_195 : i32
        %parallel_loop3A_220 = arith.index_cast %parallel_loop3A_219 : i32 to index
        %parallel_loop3A_221 = tpu.vector_load %arg7[%parallel_loop3A_220] {strides = array<i32>} : memref<8192xf32, #tpu.memory_space<vmem>>, vector<16xf32>,
        %parallel_loop3A_222 = arith.maximumf %parallel_loop3A_217, %parallel_loop3A_221 : vector<16xf32>
        %parallel_loop3A_223 = arith.constant 3072 : i32
        %parallel_loop3A_224 = arith.addi %parallel_loop3A_223, %parallel_loop3A_195 : i32
        %parallel_loop3A_225 = arith.index_cast %parallel_loop3A_224 : i32 to index
        %parallel_loop3A_226 = tpu.vector_load %arg7[%parallel_loop3A_225] {strides = array<i32>} : memref<8192xf32, #tpu.memory_space<vmem>>, vector<16xf32>,
        %parallel_loop3A_227 = arith.maximumf %parallel_loop3A_222, %parallel_loop3A_226 : vector<16xf32>
        %parallel_loop3A_228 = arith.constant 3584 : i32
        %parallel_loop3A_229 = arith.addi %parallel_loop3A_228, %parallel_loop3A_195 : i32
        %parallel_loop3A_230 = arith.index_cast %parallel_loop3A_229 : i32 to index
        %parallel_loop3A_231 = tpu.vector_load %arg7[%parallel_loop3A_230] {strides = array<i32>} : memref<8192xf32, #tpu.memory_space<vmem>>, vector<16xf32>,
        %parallel_loop3A_232 = arith.maximumf %parallel_loop3A_227, %parallel_loop3A_231 : vector<16xf32>
        %parallel_loop3A_233 = arith.constant 4096 : i32
        %parallel_loop3A_234 = arith.addi %parallel_loop3A_233, %parallel_loop3A_195 : i32
        %parallel_loop3A_235 = arith.index_cast %parallel_loop3A_234 : i32 to index
        %parallel_loop3A_236 = tpu.vector_load %arg7[%parallel_loop3A_235] {strides = array<i32>} : memref<8192xf32, #tpu.memory_space<vmem>>, vector<16xf32>,
        %parallel_loop3A_237 = arith.maximumf %parallel_loop3A_232, %parallel_loop3A_236 : vector<16xf32>
        %parallel_loop3A_238 = arith.constant 4608 : i32
        %parallel_loop3A_239 = arith.addi %parallel_loop3A_238, %parallel_loop3A_195 : i32
        %parallel_loop3A_240 = arith.index_cast %parallel_loop3A_239 : i32 to index
        %parallel_loop3A_241 = tpu.vector_load %arg7[%parallel_loop3A_240] {strides = array<i32>} : memref<8192xf32, #tpu.memory_space<vmem>>, vector<16xf32>,
        %parallel_loop3A_242 = arith.maximumf %parallel_loop3A_237, %parallel_loop3A_241 : vector<16xf32>
        %parallel_loop3A_243 = arith.constant 5120 : i32
        %parallel_loop3A_244 = arith.addi %parallel_loop3A_243, %parallel_loop3A_195 : i32
        %parallel_loop3A_245 = arith.index_cast %parallel_loop3A_244 : i32 to index
        %parallel_loop3A_246 = tpu.vector_load %arg7[%parallel_loop3A_245] {strides = array<i32>} : memref<8192xf32, #tpu.memory_space<vmem>>, vector<16xf32>,
        %parallel_loop3A_247 = arith.maximumf %parallel_loop3A_242, %parallel_loop3A_246 : vector<16xf32>
        %parallel_loop3A_248 = arith.constant 5632 : i32
        %parallel_loop3A_249 = arith.addi %parallel_loop3A_248, %parallel_loop3A_195 : i32
        %parallel_loop3A_250 = arith.index_cast %parallel_loop3A_249 : i32 to index
        %parallel_loop3A_251 = tpu.vector_load %arg7[%parallel_loop3A_250] {strides = array<i32>} : memref<8192xf32, #tpu.memory_space<vmem>>, vector<16xf32>,
        %parallel_loop3A_252 = arith.maximumf %parallel_loop3A_247, %parallel_loop3A_251 : vector<16xf32>
        %parallel_loop3A_253 = arith.constant 6144 : i32
        %parallel_loop3A_254 = arith.addi %parallel_loop3A_253, %parallel_loop3A_195 : i32
        %parallel_loop3A_255 = arith.index_cast %parallel_loop3A_254 : i32 to index
        %parallel_loop3A_256 = tpu.vector_load %arg7[%parallel_loop3A_255] {strides = array<i32>} : memref<8192xf32, #tpu.memory_space<vmem>>, vector<16xf32>,
        %parallel_loop3A_257 = arith.maximumf %parallel_loop3A_252, %parallel_loop3A_256 : vector<16xf32>
        %parallel_loop3A_258 = arith.constant 6656 : i32
        %parallel_loop3A_259 = arith.addi %parallel_loop3A_258, %parallel_loop3A_195 : i32
        %parallel_loop3A_260 = arith.index_cast %parallel_loop3A_259 : i32 to index
        %parallel_loop3A_261 = tpu.vector_load %arg7[%parallel_loop3A_260] {strides = array<i32>} : memref<8192xf32, #tpu.memory_space<vmem>>, vector<16xf32>,
        %parallel_loop3A_262 = arith.maximumf %parallel_loop3A_257, %parallel_loop3A_261 : vector<16xf32>
        %parallel_loop3A_263 = arith.constant 7168 : i32
        %parallel_loop3A_264 = arith.addi %parallel_loop3A_263, %parallel_loop3A_195 : i32
        %parallel_loop3A_265 = arith.index_cast %parallel_loop3A_264 : i32 to index
        %parallel_loop3A_266 = tpu.vector_load %arg7[%parallel_loop3A_265] {strides = array<i32>} : memref<8192xf32, #tpu.memory_space<vmem>>, vector<16xf32>,
        %parallel_loop3A_267 = arith.maximumf %parallel_loop3A_262, %parallel_loop3A_266 : vector<16xf32>
        %parallel_loop3A_268 = arith.constant 7680 : i32
        %parallel_loop3A_269 = arith.addi %parallel_loop3A_268, %parallel_loop3A_195 : i32
        %parallel_loop3A_270 = arith.index_cast %parallel_loop3A_269 : i32 to index
        %parallel_loop3A_271 = tpu.vector_load %arg7[%parallel_loop3A_270] {strides = array<i32>} : memref<8192xf32, #tpu.memory_space<vmem>>, vector<16xf32>,
        %parallel_loop3A_272 = arith.maximumf %parallel_loop3A_267, %parallel_loop3A_271 : vector<16xf32>
        %parallel_loop3A_273 = vector.broadcast %sub3A_62 : f32 to vector<16xf32>
        %parallel_loop3A_274 = arith.cmpf ogt, %parallel_loop3A_272, %parallel_loop3A_273 : vector<16xf32>
        %parallel_loop3A_275 = vector.broadcast %parallel_loop3A_195 : i32 to vector<16xi32>
        %parallel_loop3A_276 = arith.addi %parallel_loop3A_275, %iota3A : vector<16xi32>
        %parallel_loop3A_277 = arith.index_cast %parallel_loop3A_193 : i32 to index
        %parallel_loop3A_278 = tpu.vector_load %arg8[%parallel_loop3A_277] masked %parallel_loop3A_274 {strides = array<i32>} : memref<512xi32, #tpu.memory_space<vmem>>, vector<16xi32>, vector<16xi1>
        tpu.vector_store %arg8[%parallel_loop3A_277], %parallel_loop3A_276 masked %parallel_loop3A_274 {strides = array<i32>} : memref<512xi32, #tpu.memory_space<vmem>>, vector<16xi32>, vector<16xi1>
        %parallel_loop3A_279 = tpu.all_reduce %parallel_loop3A_274 {dim = 0 : i64, kind = #tpu.reduction_kind<sum>} : vector<16xi1> -> vector<16xi32>
        %parallel_loop3A_280 = vector.extract_strided_slice %parallel_loop3A_279 {offsets = [0], sizes = [1], strides = [1]} : vector<16xi32> to vector<1xi32>
        %parallel_loop3A_281 = vector.extract %parallel_loop3A_280[0] : i32 from vector<1xi32>
        %parallel_loop3A_282 = arith.addi %parallel_loop3A_193, %parallel_loop3A_281 : i32
        scf.yield %parallel_loop3A_282 : i32
      } {sc.loop_unroll_factor = 1 : i64, sc.parallel_access}
      %parallel_loop3A_69 = arith.constant 0 : i32
      %parallel_loop3A_70 = arith.constant 1 : i32
      %parallel_loop3A_71 = arith.constant 0 : i32
      %parallel_loop3A_72 = scf.for %parallel_loop3A_192 = %parallel_loop3A_69 to %parallel_loop3A_68 step %parallel_loop3A_70 iter_args(%parallel_loop3A_193 = %parallel_loop3A_71) -> (i32)  : i32 {
        %parallel_loop3A_194 = vector.broadcast %parallel_loop3A_192 : i32 to vector<16xi32>
        %parallel_loop3A_195 = tpu.vector_load_idx %arg8[%parallel_loop3A_194] : memref<512xi32, #tpu.memory_space<vmem>>[vector<16xi32>], vector<16xi32>,
        %parallel_loop3A_196 = vector.extract_strided_slice %parallel_loop3A_195 {offsets = [0], sizes = [1], strides = [1]} : vector<16xi32> to vector<1xi32>
        %parallel_loop3A_197 = vector.extract %parallel_loop3A_196[0] : i32 from vector<1xi32>
        %parallel_loop3A_198 = arith.constant 64 : i32
        %parallel_loop3A_199 = arith.muli %parallel_loop3A_197, %parallel_loop3A_198 : i32
        %parallel_loop3A_200 = arith.constant 0 : i32
        %parallel_loop3A_201 = arith.addi %parallel_loop3A_199, %parallel_loop3A_200 : i32
        %parallel_loop3A_202 = arith.index_cast %parallel_loop3A_201 : i32 to index
        %parallel_loop3A_203 = tpu.vector_load %arg4[%parallel_loop3A_202] {strides = array<i32>} : memref<32768xf32, #tpu.memory_space<vmem>>, vector<16xf32>,
        %parallel_loop3A_204 = vector.broadcast %sub3A_62 : f32 to vector<16xf32>
        %parallel_loop3A_205 = arith.cmpf ogt, %parallel_loop3A_203, %parallel_loop3A_204 : vector<16xf32>
        %parallel_loop3A_206 = arith.constant 2048 : i32
        %parallel_loop3A_207 = arith.minsi %parallel_loop3A_193, %parallel_loop3A_206 : i32
        %parallel_loop3A_208 = arith.subf %parallel_loop3A_203, %broadcast_in_dim3A_63 : vector<16xf32>
        %parallel_loop3A_209 = arith.index_cast %parallel_loop3A_207 : i32 to index
        %parallel_loop3A_210 = tpu.vector_load %arg9[%parallel_loop3A_209] masked %parallel_loop3A_205 {strides = array<i32>} : memref<2064xf32, #tpu.memory_space<vmem>>, vector<16xf32>, vector<16xi1>
        tpu.vector_store %arg9[%parallel_loop3A_209], %parallel_loop3A_208 masked %parallel_loop3A_205 {strides = array<i32>} : memref<2064xf32, #tpu.memory_space<vmem>>, vector<16xf32>, vector<16xi1>
        %parallel_loop3A_211 = arith.constant 0 : i32
        %parallel_loop3A_212 = arith.addi %parallel_loop3A_199, %parallel_loop3A_211 : i32
        %parallel_loop3A_213 = vector.broadcast %parallel_loop3A_212 : i32 to vector<16xi32>
        %parallel_loop3A_214 = arith.addi %parallel_loop3A_213, %iota3A : vector<16xi32>
        %parallel_loop3A_215 = arith.index_cast %parallel_loop3A_207 : i32 to index
        %parallel_loop3A_216 = tpu.vector_load %arg10[%parallel_loop3A_215] masked %parallel_loop3A_205 {strides = array<i32>} : memref<2064xi32, #tpu.memory_space<vmem>>, vector<16xi32>, vector<16xi1>
        tpu.vector_store %arg10[%parallel_loop3A_215], %parallel_loop3A_214 masked %parallel_loop3A_205 {strides = array<i32>} : memref<2064xi32, #tpu.memory_space<vmem>>, vector<16xi32>, vector<16xi1>
        %parallel_loop3A_217 = tpu.all_reduce %parallel_loop3A_205 {dim = 0 : i64, kind = #tpu.reduction_kind<sum>} : vector<16xi1> -> vector<16xi32>
        %parallel_loop3A_218 = vector.extract_strided_slice %parallel_loop3A_217 {offsets = [0], sizes = [1], strides = [1]} : vector<16xi32> to vector<1xi32>
        %parallel_loop3A_219 = vector.extract %parallel_loop3A_218[0] : i32 from vector<1xi32>
        %parallel_loop3A_220 = arith.addi %parallel_loop3A_193, %parallel_loop3A_219 : i32
        %parallel_loop3A_221 = arith.constant 16 : i32
        %parallel_loop3A_222 = arith.addi %parallel_loop3A_199, %parallel_loop3A_221 : i32
        %parallel_loop3A_223 = arith.index_cast %parallel_loop3A_222 : i32 to index
        %parallel_loop3A_224 = tpu.vector_load %arg4[%parallel_loop3A_223] {strides = array<i32>} : memref<32768xf32, #tpu.memory_space<vmem>>, vector<16xf32>,
        %parallel_loop3A_225 = vector.broadcast %sub3A_62 : f32 to vector<16xf32>
        %parallel_loop3A_226 = arith.cmpf ogt, %parallel_loop3A_224, %parallel_loop3A_225 : vector<16xf32>
        %parallel_loop3A_227 = arith.constant 2048 : i32
        %parallel_loop3A_228 = arith.minsi %parallel_loop3A_220, %parallel_loop3A_227 : i32
        %parallel_loop3A_229 = arith.subf %parallel_loop3A_224, %broadcast_in_dim3A_63 : vector<16xf32>
        %parallel_loop3A_230 = arith.index_cast %parallel_loop3A_228 : i32 to index
        %parallel_loop3A_231 = tpu.vector_load %arg9[%parallel_loop3A_230] masked %parallel_loop3A_226 {strides = array<i32>} : memref<2064xf32, #tpu.memory_space<vmem>>, vector<16xf32>, vector<16xi1>
        tpu.vector_store %arg9[%parallel_loop3A_230], %parallel_loop3A_229 masked %parallel_loop3A_226 {strides = array<i32>} : memref<2064xf32, #tpu.memory_space<vmem>>, vector<16xf32>, vector<16xi1>
        %parallel_loop3A_232 = arith.constant 16 : i32
        %parallel_loop3A_233 = arith.addi %parallel_loop3A_199, %parallel_loop3A_232 : i32
        %parallel_loop3A_234 = vector.broadcast %parallel_loop3A_233 : i32 to vector<16xi32>
        %parallel_loop3A_235 = arith.addi %parallel_loop3A_234, %iota3A : vector<16xi32>
        %parallel_loop3A_236 = arith.index_cast %parallel_loop3A_228 : i32 to index
        %parallel_loop3A_237 = tpu.vector_load %arg10[%parallel_loop3A_236] masked %parallel_loop3A_226 {strides = array<i32>} : memref<2064xi32, #tpu.memory_space<vmem>>, vector<16xi32>, vector<16xi1>
        tpu.vector_store %arg10[%parallel_loop3A_236], %parallel_loop3A_235 masked %parallel_loop3A_226 {strides = array<i32>} : memref<2064xi32, #tpu.memory_space<vmem>>, vector<16xi32>, vector<16xi1>
        %parallel_loop3A_238 = tpu.all_reduce %parallel_loop3A_226 {dim = 0 : i64, kind = #tpu.reduction_kind<sum>} : vector<16xi1> -> vector<16xi32>
        %parallel_loop3A_239 = vector.extract_strided_slice %parallel_loop3A_238 {offsets = [0], sizes = [1], strides = [1]} : vector<16xi32> to vector<1xi32>
        %parallel_loop3A_240 = vector.extract %parallel_loop3A_239[0] : i32 from vector<1xi32>
        %parallel_loop3A_241 = arith.addi %parallel_loop3A_220, %parallel_loop3A_240 : i32
        %parallel_loop3A_242 = arith.constant 32 : i32
        %parallel_loop3A_243 = arith.addi %parallel_loop3A_199, %parallel_loop3A_242 : i32
        %parallel_loop3A_244 = arith.index_cast %parallel_loop3A_243 : i32 to index
        %parallel_loop3A_245 = tpu.vector_load %arg4[%parallel_loop3A_244] {strides = array<i32>} : memref<32768xf32, #tpu.memory_space<vmem>>, vector<16xf32>,
        %parallel_loop3A_246 = vector.broadcast %sub3A_62 : f32 to vector<16xf32>
        %parallel_loop3A_247 = arith.cmpf ogt, %parallel_loop3A_245, %parallel_loop3A_246 : vector<16xf32>
        %parallel_loop3A_248 = arith.constant 2048 : i32
        %parallel_loop3A_249 = arith.minsi %parallel_loop3A_241, %parallel_loop3A_248 : i32
        %parallel_loop3A_250 = arith.subf %parallel_loop3A_245, %broadcast_in_dim3A_63 : vector<16xf32>
        %parallel_loop3A_251 = arith.index_cast %parallel_loop3A_249 : i32 to index
        %parallel_loop3A_252 = tpu.vector_load %arg9[%parallel_loop3A_251] masked %parallel_loop3A_247 {strides = array<i32>} : memref<2064xf32, #tpu.memory_space<vmem>>, vector<16xf32>, vector<16xi1>
        tpu.vector_store %arg9[%parallel_loop3A_251], %parallel_loop3A_250 masked %parallel_loop3A_247 {strides = array<i32>} : memref<2064xf32, #tpu.memory_space<vmem>>, vector<16xf32>, vector<16xi1>
        %parallel_loop3A_253 = arith.constant 32 : i32
        %parallel_loop3A_254 = arith.addi %parallel_loop3A_199, %parallel_loop3A_253 : i32
        %parallel_loop3A_255 = vector.broadcast %parallel_loop3A_254 : i32 to vector<16xi32>
        %parallel_loop3A_256 = arith.addi %parallel_loop3A_255, %iota3A : vector<16xi32>
        %parallel_loop3A_257 = arith.index_cast %parallel_loop3A_249 : i32 to index
        %parallel_loop3A_258 = tpu.vector_load %arg10[%parallel_loop3A_257] masked %parallel_loop3A_247 {strides = array<i32>} : memref<2064xi32, #tpu.memory_space<vmem>>, vector<16xi32>, vector<16xi1>
        tpu.vector_store %arg10[%parallel_loop3A_257], %parallel_loop3A_256 masked %parallel_loop3A_247 {strides = array<i32>} : memref<2064xi32, #tpu.memory_space<vmem>>, vector<16xi32>, vector<16xi1>
        %parallel_loop3A_259 = tpu.all_reduce %parallel_loop3A_247 {dim = 0 : i64, kind = #tpu.reduction_kind<sum>} : vector<16xi1> -> vector<16xi32>
        %parallel_loop3A_260 = vector.extract_strided_slice %parallel_loop3A_259 {offsets = [0], sizes = [1], strides = [1]} : vector<16xi32> to vector<1xi32>
        %parallel_loop3A_261 = vector.extract %parallel_loop3A_260[0] : i32 from vector<1xi32>
        %parallel_loop3A_262 = arith.addi %parallel_loop3A_241, %parallel_loop3A_261 : i32
        %parallel_loop3A_263 = arith.constant 48 : i32
        %parallel_loop3A_264 = arith.addi %parallel_loop3A_199, %parallel_loop3A_263 : i32
        %parallel_loop3A_265 = arith.index_cast %parallel_loop3A_264 : i32 to index
        %parallel_loop3A_266 = tpu.vector_load %arg4[%parallel_loop3A_265] {strides = array<i32>} : memref<32768xf32, #tpu.memory_space<vmem>>, vector<16xf32>,
        %parallel_loop3A_267 = vector.broadcast %sub3A_62 : f32 to vector<16xf32>
        %parallel_loop3A_268 = arith.cmpf ogt, %parallel_loop3A_266, %parallel_loop3A_267 : vector<16xf32>
        %parallel_loop3A_269 = arith.constant 2048 : i32
        %parallel_loop3A_270 = arith.minsi %parallel_loop3A_262, %parallel_loop3A_269 : i32
        %parallel_loop3A_271 = arith.subf %parallel_loop3A_266, %broadcast_in_dim3A_63 : vector<16xf32>
        %parallel_loop3A_272 = arith.index_cast %parallel_loop3A_270 : i32 to index
        %parallel_loop3A_273 = tpu.vector_load %arg9[%parallel_loop3A_272] masked %parallel_loop3A_268 {strides = array<i32>} : memref<2064xf32, #tpu.memory_space<vmem>>, vector<16xf32>, vector<16xi1>
        tpu.vector_store %arg9[%parallel_loop3A_272], %parallel_loop3A_271 masked %parallel_loop3A_268 {strides = array<i32>} : memref<2064xf32, #tpu.memory_space<vmem>>, vector<16xf32>, vector<16xi1>
        %parallel_loop3A_274 = arith.constant 48 : i32
        %parallel_loop3A_275 = arith.addi %parallel_loop3A_199, %parallel_loop3A_274 : i32
        %parallel_loop3A_276 = vector.broadcast %parallel_loop3A_275 : i32 to vector<16xi32>
        %parallel_loop3A_277 = arith.addi %parallel_loop3A_276, %iota3A : vector<16xi32>
        %parallel_loop3A_278 = arith.index_cast %parallel_loop3A_270 : i32 to index
        %parallel_loop3A_279 = tpu.vector_load %arg10[%parallel_loop3A_278] masked %parallel_loop3A_268 {strides = array<i32>} : memref<2064xi32, #tpu.memory_space<vmem>>, vector<16xi32>, vector<16xi1>
        tpu.vector_store %arg10[%parallel_loop3A_278], %parallel_loop3A_277 masked %parallel_loop3A_268 {strides = array<i32>} : memref<2064xi32, #tpu.memory_space<vmem>>, vector<16xi32>, vector<16xi1>
        %parallel_loop3A_280 = tpu.all_reduce %parallel_loop3A_268 {dim = 0 : i64, kind = #tpu.reduction_kind<sum>} : vector<16xi1> -> vector<16xi32>
        %parallel_loop3A_281 = vector.extract_strided_slice %parallel_loop3A_280 {offsets = [0], sizes = [1], strides = [1]} : vector<16xi32> to vector<1xi32>
        %parallel_loop3A_282 = vector.extract %parallel_loop3A_281[0] : i32 from vector<1xi32>
        %parallel_loop3A_283 = arith.addi %parallel_loop3A_262, %parallel_loop3A_282 : i32
        scf.yield %parallel_loop3A_283 : i32
      } {sc.loop_unroll_factor = 1 : i64, sc.parallel_access}
      %min3A = arith.constant 2048 : i32
      %min3A_73 = arith.minsi %parallel_loop3A_72, %min3A : i32
      %add3A_74 = vector.broadcast %min3A_73 : i32 to vector<16xi32>
      %add3A_75 = arith.addi %add3A_74, %iota3A : vector<16xi32>
      %broadcast_in_dim3A_76 = arith.constant -2.000000e+00 : f32
      %broadcast_in_dim3A_77 = vector.broadcast %broadcast_in_dim3A_76 : f32 to vector<16xf32>
      tpu.vector_store_idx %arg9[%add3A_75], %broadcast_in_dim3A_77 : memref<2064xf32, #tpu.memory_space<vmem>>[vector<16xi32>], vector<16xf32>,
      %add3A_78 = vector.broadcast %min3A_73 : i32 to vector<16xi32>
      %add3A_79 = arith.addi %add3A_78, %iota3A : vector<16xi32>
      %broadcast_in_dim3A_80 = arith.constant 32768 : i32
      %broadcast_in_dim3A_81 = vector.broadcast %broadcast_in_dim3A_80 : i32 to vector<16xi32>
      %add3A_82 = arith.addi %broadcast_in_dim3A_81, %iota3A : vector<16xi32>
      tpu.vector_store_idx %arg10[%add3A_79], %add3A_82 : memref<2064xi32, #tpu.memory_space<vmem>>[vector<16xi32>], vector<16xi32>,
      %le3A = arith.constant 2048 : i32
      %le3A_83 = arith.cmpi sle, %parallel_loop3A_72, %le3A : i32
      %add3A_84 = arith.constant 15 : i32
      %add3A_85 = arith.addi %min3A_73, %add3A_84 : i32
      %shift_right_arithmetic3A = arith.constant 4 : i32
      %shift_right_arithmetic3A_86 = arith.shrsi %add3A_85, %shift_right_arithmetic3A : i32
      %convert_element_type3A_87 = arith.extui %le3A_83 : i1 to i32
      %cond3A_88 = arith.constant 0 : i32
      %cond3A_89 = arith.cmpi ne, %convert_element_type3A_87, %cond3A_88 : i32
      %cond3A_90 = scf.if %cond3A_89 -> (vector<16xf32>) {
        %scan3A_192 = arith.constant -1.000000e+00 : f32
        %scan3A_193 = arith.constant 0.000000e+00 : f32
        %scan3A_194 = arith.constant 0 : i32
        %scan3A_195 = arith.constant 25 : i32
        %scan3A_196 = arith.addi %scan3A_194, %scan3A_195 : i32
        %scan3A_197 = arith.constant 1 : i32
        %scan3A_198:2 = scf.for %scan3A_222 = %scan3A_194 to %scan3A_196 step %scan3A_197 iter_args(%scan3A_223 = %scan3A_192, %scan3A_224 = %scan3A_193) -> (f32, f32)  : i32 {
          %add3A_225 = arith.addf %scan3A_223, %scan3A_224 : f32
          %mul3A_226 = arith.constant 5.000000e-01 : f32
          %mul3A_227 = arith.mulf %mul3A_226, %add3A_225 : f32
          %while3A_228 = arith.constant 0 : i32
          %while3A_229 = arith.subi %shift_right_arithmetic3A_86, %while3A_228 : i32
          %while3A_230 = arith.addi %while3A_228, %while3A_229 : i32
          %while3A_231 = arith.constant 1 : i32
          %while3A_232 = arith.divsi %while3A_229, %while3A_231 : i32
          %while3A_233 = arith.muli %while3A_232, %while3A_231 : i32
          %while3A_234 = arith.addi %while3A_228, %while3A_233 : i32
          %while3A_235 = arith.constant 1 : i32
          %while3A_236 = scf.for %while3A_247 = %while3A_228 to %while3A_234 step %while3A_235 iter_args(%while3A_248 = %broadcast_in_dim3A_3) -> (vector<16xf32>)  : i32 {
            %mul3A_249 = arith.constant 16 : i32
            %mul3A_250 = arith.muli %while3A_247, %mul3A_249 : i32
            %get3A = arith.index_cast %mul3A_250 : i32 to index
            %get3A_251 = tpu.vector_load %arg9[%get3A] {strides = array<i32>} : memref<2064xf32, #tpu.memory_space<vmem>>, vector<16xf32>,
            %sub3A_252 = vector.broadcast %mul3A_227 : f32 to vector<16xf32>
            %sub3A_253 = arith.subf %get3A_251, %sub3A_252 : vector<16xf32>
            %max3A = arith.constant 0.000000e+00 : f32
            %max3A_254 = vector.broadcast %max3A : f32 to vector<16xf32>
            %max3A_255 = arith.maximumf %sub3A_253, %max3A_254 : vector<16xf32>
            %add3A_256 = arith.addf %while3A_248, %max3A_255 : vector<16xf32>
            scf.yield %add3A_256 : vector<16xf32>
          }
          %while3A_237 = arith.constant 1 : i32
          %while3A_238 = scf.for %while3A_247 = %while3A_234 to %while3A_230 step %while3A_237 iter_args(%while3A_248 = %while3A_236) -> (vector<16xf32>)  : i32 {
            %mul3A_249 = arith.constant 16 : i32
            %mul3A_250 = arith.muli %while3A_247, %mul3A_249 : i32
            %get3A = arith.index_cast %mul3A_250 : i32 to index
            %get3A_251 = tpu.vector_load %arg9[%get3A] {strides = array<i32>} : memref<2064xf32, #tpu.memory_space<vmem>>, vector<16xf32>,
            %sub3A_252 = vector.broadcast %mul3A_227 : f32 to vector<16xf32>
            %sub3A_253 = arith.subf %get3A_251, %sub3A_252 : vector<16xf32>
            %max3A = arith.constant 0.000000e+00 : f32
            %max3A_254 = vector.broadcast %max3A : f32 to vector<16xf32>
            %max3A_255 = arith.maximumf %sub3A_253, %max3A_254 : vector<16xf32>
            %add3A_256 = arith.addf %while3A_248, %max3A_255 : vector<16xf32>
            scf.yield %add3A_256 : vector<16xf32>
          }
          %reduce_sum3A_239 = arith.constant true
          %reduce_sum3A_240 = vector.broadcast %reduce_sum3A_239 : i1 to vector<16xi1>
          %reduce_sum3A_241 = tpu.scan <sum>, %while3A_238 masked %reduce_sum3A_240 : vector<16xf32>, vector<16xi1> -> vector<16xf32>
          %reduce_sum3A_242 = vector.extract %reduce_sum3A_241[15] : f32 from vector<16xf32>
          %sub3A_243 = arith.constant 1.000000e+00 : f32
          %sub3A_244 = arith.subf %reduce_sum3A_242, %sub3A_243 : f32
          %ge3A = arith.constant 0.000000e+00 : f32
          %ge3A_245 = arith.cmpf oge, %sub3A_244, %ge3A : f32
          %select_n3A = arith.select %ge3A_245, %mul3A_227, %scan3A_223 : f32
          %select_n3A_246 = arith.select %ge3A_245, %scan3A_224, %mul3A_227 : f32
          scf.yield %select_n3A, %select_n3A_246 : f32, f32
        }
        %scan3A_199 = arith.constant 25 : i32
        %while3A = arith.constant 0 : i32
        %while3A_200 = arith.subi %shift_right_arithmetic3A_86, %while3A : i32
        %while3A_201 = arith.addi %while3A, %while3A_200 : i32
        %while3A_202 = arith.constant 1 : i32
        %while3A_203 = arith.divsi %while3A_200, %while3A_202 : i32
        %while3A_204 = arith.muli %while3A_203, %while3A_202 : i32
        %while3A_205 = arith.addi %while3A, %while3A_204 : i32
        %while3A_206 = arith.constant 1 : i32
        %while3A_207:2 = scf.for %while3A_222 = %while3A to %while3A_205 step %while3A_206 iter_args(%while3A_223 = %broadcast_in_dim3A_3, %while3A_224 = %broadcast_in_dim3A_5) -> (vector<16xf32>, vector<16xi32>)  : i32 {
          %mul3A_225 = arith.constant 16 : i32
          %mul3A_226 = arith.muli %while3A_222, %mul3A_225 : i32
          %get3A = arith.index_cast %mul3A_226 : i32 to index
          %get3A_227 = tpu.vector_load %arg9[%get3A] {strides = array<i32>} : memref<2064xf32, #tpu.memory_space<vmem>>, vector<16xf32>,
          %gt3A_228 = vector.broadcast %scan3A_198#0 : f32 to vector<16xf32>
          %gt3A_229 = arith.cmpf ogt, %get3A_227, %gt3A_228 : vector<16xf32>
          %jit3A = arith.constant 0.000000e+00 : f32
          %broadcast_in_dim3A_230 = vector.broadcast %jit3A : f32 to vector<16xf32>
          %select_n3A = arith.select %gt3A_229, %get3A_227, %broadcast_in_dim3A_230 : vector<16xi1>, vector<16xf32>
          %add3A_231 = arith.addf %while3A_223, %select_n3A : vector<16xf32>
          %convert_element_type3A_232 = arith.extui %gt3A_229 : vector<16xi1> to vector<16xi32>
          %add3A_233 = arith.addi %while3A_224, %convert_element_type3A_232 : vector<16xi32>
          scf.yield %add3A_231, %add3A_233 : vector<16xf32>, vector<16xi32>
        }
        %while3A_208 = arith.constant 1 : i32
        %while3A_209:2 = scf.for %while3A_222 = %while3A_205 to %while3A_201 step %while3A_208 iter_args(%while3A_223 = %while3A_207#0, %while3A_224 = %while3A_207#1) -> (vector<16xf32>, vector<16xi32>)  : i32 {
          %mul3A_225 = arith.constant 16 : i32
          %mul3A_226 = arith.muli %while3A_222, %mul3A_225 : i32
          %get3A = arith.index_cast %mul3A_226 : i32 to index
          %get3A_227 = tpu.vector_load %arg9[%get3A] {strides = array<i32>} : memref<2064xf32, #tpu.memory_space<vmem>>, vector<16xf32>,
          %gt3A_228 = vector.broadcast %scan3A_198#0 : f32 to vector<16xf32>
          %gt3A_229 = arith.cmpf ogt, %get3A_227, %gt3A_228 : vector<16xf32>
          %jit3A = arith.constant 0.000000e+00 : f32
          %broadcast_in_dim3A_230 = vector.broadcast %jit3A : f32 to vector<16xf32>
          %select_n3A = arith.select %gt3A_229, %get3A_227, %broadcast_in_dim3A_230 : vector<16xi1>, vector<16xf32>
          %add3A_231 = arith.addf %while3A_223, %select_n3A : vector<16xf32>
          %convert_element_type3A_232 = arith.extui %gt3A_229 : vector<16xi1> to vector<16xi32>
          %add3A_233 = arith.addi %while3A_224, %convert_element_type3A_232 : vector<16xi32>
          scf.yield %add3A_231, %add3A_233 : vector<16xf32>, vector<16xi32>
        }
        %reduce_sum3A = arith.constant true
        %reduce_sum3A_210 = vector.broadcast %reduce_sum3A : i1 to vector<16xi1>
        %reduce_sum3A_211 = tpu.scan <sum>, %while3A_209#0 masked %reduce_sum3A_210 : vector<16xf32>, vector<16xi1> -> vector<16xf32>
        %reduce_sum3A_212 = vector.extract %reduce_sum3A_211[15] : f32 from vector<16xf32>
        %sub3A_213 = arith.constant 1.000000e+00 : f32
        %sub3A_214 = arith.subf %reduce_sum3A_212, %sub3A_213 : f32
        %broadcast_in_dim3A_215 = vector.broadcast %sub3A_214 : f32 to vector<16xf32>
        %reduce_sum3A_216 = arith.constant true
        %reduce_sum3A_217 = vector.broadcast %reduce_sum3A_216 : i1 to vector<16xi1>
        %reduce_sum3A_218 = tpu.scan <sum>, %while3A_209#1 masked %reduce_sum3A_217 : vector<16xi32>, vector<16xi1> -> vector<16xi32>
        %reduce_sum3A_219 = vector.extract %reduce_sum3A_218[15] : i32 from vector<16xi32>
        %convert_element_type3A_220 = arith.sitofp %reduce_sum3A_219 : i32 to f32
        %broadcast_in_dim3A_221 = vector.broadcast %convert_element_type3A_220 : f32 to vector<16xf32>
        %div3A = arith.divf %broadcast_in_dim3A_215, %broadcast_in_dim3A_221 : vector<16xf32>
        scf.yield %div3A : vector<16xf32>
      } else {
        %scan3A_192 = arith.constant -1.000000e+00 : f32
        %scan3A_193 = arith.constant 0.000000e+00 : f32
        %scan3A_194 = arith.constant 0 : i32
        %scan3A_195 = arith.constant 25 : i32
        %scan3A_196 = arith.addi %scan3A_194, %scan3A_195 : i32
        %scan3A_197 = arith.constant 1 : i32
        %scan3A_198:2 = scf.for %scan3A_218 = %scan3A_194 to %scan3A_196 step %scan3A_197 iter_args(%scan3A_219 = %scan3A_192, %scan3A_220 = %scan3A_193) -> (f32, f32)  : i32 {
          %add3A_221 = arith.addf %scan3A_219, %scan3A_220 : f32
          %mul3A_222 = arith.constant 5.000000e-01 : f32
          %mul3A_223 = arith.mulf %mul3A_222, %add3A_221 : f32
          %scan3A_224 = arith.constant 0 : i32
          %scan3A_225 = arith.constant 2048 : i32
          %scan3A_226 = arith.addi %scan3A_224, %scan3A_225 : i32
          %scan3A_227 = arith.constant 1 : i32
          %scan3A_228 = scf.for %scan3A_238 = %scan3A_224 to %scan3A_226 step %scan3A_227 iter_args(%scan3A_239 = %broadcast_in_dim3A_3) -> (vector<16xf32>)  : i32 {
            %mul3A_240 = arith.constant 16 : i32
            %mul3A_241 = arith.muli %scan3A_238, %mul3A_240 : i32
            %get3A = arith.index_cast %mul3A_241 : i32 to index
            %get3A_242 = tpu.vector_load %arg4[%get3A] {strides = array<i32>} : memref<32768xf32, #tpu.memory_space<vmem>>, vector<16xf32>,
            %sub3A_243 = vector.broadcast %reduce_max3A_60 : f32 to vector<16xf32>
            %sub3A_244 = arith.subf %get3A_242, %sub3A_243 : vector<16xf32>
            %sub3A_245 = vector.broadcast %mul3A_223 : f32 to vector<16xf32>
            %sub3A_246 = arith.subf %sub3A_244, %sub3A_245 : vector<16xf32>
            %max3A = arith.constant 0.000000e+00 : f32
            %max3A_247 = vector.broadcast %max3A : f32 to vector<16xf32>
            %max3A_248 = arith.maximumf %sub3A_246, %max3A_247 : vector<16xf32>
            %add3A_249 = arith.addf %scan3A_239, %max3A_248 : vector<16xf32>
            scf.yield %add3A_249 : vector<16xf32>
          }
          %scan3A_229 = arith.constant 2048 : i32
          %reduce_sum3A_230 = arith.constant true
          %reduce_sum3A_231 = vector.broadcast %reduce_sum3A_230 : i1 to vector<16xi1>
          %reduce_sum3A_232 = tpu.scan <sum>, %scan3A_228 masked %reduce_sum3A_231 : vector<16xf32>, vector<16xi1> -> vector<16xf32>
          %reduce_sum3A_233 = vector.extract %reduce_sum3A_232[15] : f32 from vector<16xf32>
          %sub3A_234 = arith.constant 1.000000e+00 : f32
          %sub3A_235 = arith.subf %reduce_sum3A_233, %sub3A_234 : f32
          %ge3A = arith.constant 0.000000e+00 : f32
          %ge3A_236 = arith.cmpf oge, %sub3A_235, %ge3A : f32
          %select_n3A = arith.select %ge3A_236, %mul3A_223, %scan3A_219 : f32
          %select_n3A_237 = arith.select %ge3A_236, %scan3A_220, %mul3A_223 : f32
          scf.yield %select_n3A, %select_n3A_237 : f32, f32
        }
        %scan3A_199 = arith.constant 25 : i32
        %scan3A_200 = arith.constant 0 : i32
        %scan3A_201 = arith.constant 2048 : i32
        %scan3A_202 = arith.addi %scan3A_200, %scan3A_201 : i32
        %scan3A_203 = arith.constant 1 : i32
        %scan3A_204:2 = scf.for %scan3A_218 = %scan3A_200 to %scan3A_202 step %scan3A_203 iter_args(%scan3A_219 = %broadcast_in_dim3A_3, %scan3A_220 = %broadcast_in_dim3A_5) -> (vector<16xf32>, vector<16xi32>)  : i32 {
          %mul3A_221 = arith.constant 16 : i32
          %mul3A_222 = arith.muli %scan3A_218, %mul3A_221 : i32
          %get3A = arith.index_cast %mul3A_222 : i32 to index
          %get3A_223 = tpu.vector_load %arg4[%get3A] {strides = array<i32>} : memref<32768xf32, #tpu.memory_space<vmem>>, vector<16xf32>,
          %sub3A_224 = vector.broadcast %reduce_max3A_60 : f32 to vector<16xf32>
          %sub3A_225 = arith.subf %get3A_223, %sub3A_224 : vector<16xf32>
          %gt3A_226 = vector.broadcast %scan3A_198#0 : f32 to vector<16xf32>
          %gt3A_227 = arith.cmpf ogt, %sub3A_225, %gt3A_226 : vector<16xf32>
          %jit3A = arith.constant 0.000000e+00 : f32
          %broadcast_in_dim3A_228 = vector.broadcast %jit3A : f32 to vector<16xf32>
          %select_n3A = arith.select %gt3A_227, %sub3A_225, %broadcast_in_dim3A_228 : vector<16xi1>, vector<16xf32>
          %add3A_229 = arith.addf %scan3A_219, %select_n3A : vector<16xf32>
          %convert_element_type3A_230 = arith.extui %gt3A_227 : vector<16xi1> to vector<16xi32>
          %add3A_231 = arith.addi %scan3A_220, %convert_element_type3A_230 : vector<16xi32>
          scf.yield %add3A_229, %add3A_231 : vector<16xf32>, vector<16xi32>
        }
        %scan3A_205 = arith.constant 2048 : i32
        %reduce_sum3A = arith.constant true
        %reduce_sum3A_206 = vector.broadcast %reduce_sum3A : i1 to vector<16xi1>
        %reduce_sum3A_207 = tpu.scan <sum>, %scan3A_204#0 masked %reduce_sum3A_206 : vector<16xf32>, vector<16xi1> -> vector<16xf32>
        %reduce_sum3A_208 = vector.extract %reduce_sum3A_207[15] : f32 from vector<16xf32>
        %sub3A_209 = arith.constant 1.000000e+00 : f32
        %sub3A_210 = arith.subf %reduce_sum3A_208, %sub3A_209 : f32
        %broadcast_in_dim3A_211 = vector.broadcast %sub3A_210 : f32 to vector<16xf32>
        %reduce_sum3A_212 = arith.constant true
        %reduce_sum3A_213 = vector.broadcast %reduce_sum3A_212 : i1 to vector<16xi1>
        %reduce_sum3A_214 = tpu.scan <sum>, %scan3A_204#1 masked %reduce_sum3A_213 : vector<16xi32>, vector<16xi1> -> vector<16xi32>
        %reduce_sum3A_215 = vector.extract %reduce_sum3A_214[15] : i32 from vector<16xi32>
        %convert_element_type3A_216 = arith.sitofp %reduce_sum3A_215 : i32 to f32
        %broadcast_in_dim3A_217 = vector.broadcast %convert_element_type3A_216 : f32 to vector<16xf32>
        %div3A = arith.divf %broadcast_in_dim3A_211, %broadcast_in_dim3A_217 : vector<16xf32>
        scf.yield %div3A : vector<16xf32>
      }
      %gt3A = arith.constant 0 : i32
      %gt3A_91 = arith.cmpi sgt, %mul3A_38, %gt3A : i32
      %convert_element_type3A_92 = arith.extui %gt3A_91 : i1 to i32
      %cond3A_93 = arith.constant 0 : i32
      %cond3A_94 = arith.cmpi ne, %convert_element_type3A_92, %cond3A_93 : i32
      scf.if %cond3A_94 {
        %sub3A_192 = arith.constant 1 : i32
        %sub3A_193 = arith.subi %add3A_39, %sub3A_192 : i32
        %dma_wait3A_194 = arith.constant 0 : i32
        %dma_wait3A_195 = tpu.memref_slice %arg6[%dma_wait3A_194] : memref<32784xf32, #tpu.memory_space<vmem>> -> memref<32768xf32, #tpu.memory_space<vmem>>
        %dma_wait3A_196 = arith.constant 0 : i32
        %dma_wait3A_197 = tpu.memref_slice %arg3[%sub3A_193, %dma_wait3A_196] : memref<1024x32768xf32, #tpu.memory_space<hbm>> -> memref<1x32768xf32, #tpu.memory_space<hbm>>
        %dma_wait3A_198 = tpu.memref_squeeze %dma_wait3A_197 : memref<1x32768xf32, #tpu.memory_space<hbm>> -> memref<32768xf32, #tpu.memory_space<hbm>>
        %dma_wait3A_199 = arith.constant 0 : i32
        %dma_wait3A_200 = tpu.memref_slice %arg3[%sub3A_193, %dma_wait3A_199] : memref<1024x32768xf32, #tpu.memory_space<hbm>> -> memref<1x32768xf32, #tpu.memory_space<hbm>>
        %dma_wait3A_201 = tpu.memref_squeeze %dma_wait3A_200 : memref<1x32768xf32, #tpu.memory_space<hbm>> -> memref<32768xf32, #tpu.memory_space<hbm>>
        %dma_wait3A_202 = arith.constant 0 : i32
        %dma_wait3A_203 = tpu.memref_slice %arg6[%dma_wait3A_202] : memref<32784xf32, #tpu.memory_space<vmem>> -> memref<32768xf32, #tpu.memory_space<vmem>>
        tpu.wait_dma2 semaphore(%arg14 : memref<!tpu.dma_semaphore, #tpu.memory_space<semaphore_mem>>) src(%dma_wait3A_203 : memref<32768xf32, #tpu.memory_space<vmem>>) dst(%dma_wait3A_201 : memref<32768xf32, #tpu.memory_space<hbm>>)
        %ge3A = arith.constant 0 : i32
        %ge3A_204 = arith.cmpi sge, %scan3A_36, %ge3A : i32
        %convert_element_type3A_205 = arith.extui %ge3A_204 : i1 to i32
        %cond3A_206 = arith.constant 0 : i32
        %cond3A_207 = arith.constant 0 : i32
        %cond3A_208 = arith.cmpi ne, %convert_element_type3A_205, %cond3A_207 : i32
        %cond3A_209 = scf.if %cond3A_208 -> (i32) {
          %while3A = arith.constant 0 : i32
          %while3A_210 = arith.constant 0 : i32
          %while3A_211 = arith.subi %scan3A_36, %while3A_210 : i32
          %while3A_212 = arith.addi %while3A_210, %while3A_211 : i32
          %while3A_213 = arith.constant 1 : i32
          %while3A_214 = arith.divsi %while3A_211, %while3A_213 : i32
          %while3A_215 = arith.muli %while3A_214, %while3A_213 : i32
          %while3A_216 = arith.addi %while3A_210, %while3A_215 : i32
          %while3A_217 = arith.constant 1 : i32
          scf.for %while3A_220 = %while3A_210 to %while3A_216 step %while3A_217  : i32 {
            %mul3A_221 = arith.constant 16 : i32
            %mul3A_222 = arith.muli %while3A_220, %mul3A_221 : i32
            %get3A = arith.index_cast %mul3A_222 : i32 to index
            %get3A_223 = tpu.vector_load %arg11[%get3A] {strides = array<i32>} : memref<2064xi32, #tpu.memory_space<vmem>>, vector<16xi32>,
            tpu.vector_store_idx %arg6[%get3A_223], %broadcast_in_dim3A_3 : memref<32784xf32, #tpu.memory_space<vmem>>[vector<16xi32>], vector<16xf32>,
          }
          %while3A_218 = arith.constant 1 : i32
          scf.for %while3A_220 = %while3A_216 to %while3A_212 step %while3A_218  : i32 {
            %mul3A_221 = arith.constant 16 : i32
            %mul3A_222 = arith.muli %while3A_220, %mul3A_221 : i32
            %get3A = arith.index_cast %mul3A_222 : i32 to index
            %get3A_223 = tpu.vector_load %arg11[%get3A] {strides = array<i32>} : memref<2064xi32, #tpu.memory_space<vmem>>, vector<16xi32>,
            tpu.vector_store_idx %arg6[%get3A_223], %broadcast_in_dim3A_3 : memref<32784xf32, #tpu.memory_space<vmem>>[vector<16xi32>], vector<16xf32>,
          }
          %cond3A_219 = arith.constant 0 : i32
          scf.yield %cond3A_219 : i32
        } else {
          %scan3A_210 = arith.constant 0 : i32
          %scan3A_211 = arith.constant 0 : i32
          %scan3A_212 = arith.constant 2048 : i32
          %scan3A_213 = arith.addi %scan3A_211, %scan3A_212 : i32
          %scan3A_214 = arith.constant 1 : i32
          scf.for %scan3A_217 = %scan3A_211 to %scan3A_213 step %scan3A_214  : i32 {
            %mul3A_218 = arith.constant 16 : i32
            %mul3A_219 = arith.muli %scan3A_217, %mul3A_218 : i32
            %swap3A = arith.index_cast %mul3A_219 : i32 to index
            %swap3A_220 = tpu.vector_load %arg6[%swap3A] {strides = array<i32>} : memref<32784xf32, #tpu.memory_space<vmem>>, vector<16xf32>,
            tpu.vector_store %arg6[%swap3A], %broadcast_in_dim3A_3 {strides = array<i32>} : memref<32784xf32, #tpu.memory_space<vmem>>, vector<16xf32>,
          }
          %scan3A_215 = arith.constant 2048 : i32
          %cond3A_216 = arith.constant 0 : i32
          scf.yield %cond3A_216 : i32
        }
      } else {
      }
      %convert_element_type3A_95 = arith.extui %le3A_83 : i1 to i32
      %cond3A_96 = arith.constant 0 : i32
      %cond3A_97 = arith.constant 0 : i32
      %cond3A_98 = arith.cmpi ne, %convert_element_type3A_95, %cond3A_97 : i32
      %cond3A_99 = scf.if %cond3A_98 -> (i32) {
        %while3A = arith.constant 0 : i32
        %while3A_192 = arith.constant 0 : i32
        %while3A_193 = arith.subi %shift_right_arithmetic3A_86, %while3A_192 : i32
        %while3A_194 = arith.addi %while3A_192, %while3A_193 : i32
        %while3A_195 = arith.constant 1 : i32
        %while3A_196 = arith.divsi %while3A_193, %while3A_195 : i32
        %while3A_197 = arith.muli %while3A_196, %while3A_195 : i32
        %while3A_198 = arith.addi %while3A_192, %while3A_197 : i32
        %while3A_199 = arith.constant 1 : i32
        scf.for %while3A_201 = %while3A_192 to %while3A_198 step %while3A_199  : i32 {
          %mul3A_202 = arith.constant 16 : i32
          %mul3A_203 = arith.muli %while3A_201, %mul3A_202 : i32
          %get3A = arith.index_cast %mul3A_203 : i32 to index
          %get3A_204 = tpu.vector_load %arg9[%get3A] {strides = array<i32>} : memref<2064xf32, #tpu.memory_space<vmem>>, vector<16xf32>,
          %mul3A_205 = arith.constant 16 : i32
          %mul3A_206 = arith.muli %while3A_201, %mul3A_205 : i32
          %get3A_207 = arith.index_cast %mul3A_206 : i32 to index
          %get3A_208 = tpu.vector_load %arg10[%get3A_207] {strides = array<i32>} : memref<2064xi32, #tpu.memory_space<vmem>>, vector<16xi32>,
          %sub3A_209 = arith.subf %get3A_204, %cond3A_90 : vector<16xf32>
          %max3A = arith.constant 0.000000e+00 : f32
          %max3A_210 = vector.broadcast %max3A : f32 to vector<16xf32>
          %max3A_211 = arith.maximumf %sub3A_209, %max3A_210 : vector<16xf32>
          tpu.vector_store_idx %arg6[%get3A_208], %max3A_211 : memref<32784xf32, #tpu.memory_space<vmem>>[vector<16xi32>], vector<16xf32>,
        }
        %while3A_200 = arith.constant 1 : i32
        scf.for %while3A_201 = %while3A_198 to %while3A_194 step %while3A_200  : i32 {
          %mul3A_202 = arith.constant 16 : i32
          %mul3A_203 = arith.muli %while3A_201, %mul3A_202 : i32
          %get3A = arith.index_cast %mul3A_203 : i32 to index
          %get3A_204 = tpu.vector_load %arg9[%get3A] {strides = array<i32>} : memref<2064xf32, #tpu.memory_space<vmem>>, vector<16xf32>,
          %mul3A_205 = arith.constant 16 : i32
          %mul3A_206 = arith.muli %while3A_201, %mul3A_205 : i32
          %get3A_207 = arith.index_cast %mul3A_206 : i32 to index
          %get3A_208 = tpu.vector_load %arg10[%get3A_207] {strides = array<i32>} : memref<2064xi32, #tpu.memory_space<vmem>>, vector<16xi32>,
          %sub3A_209 = arith.subf %get3A_204, %cond3A_90 : vector<16xf32>
          %max3A = arith.constant 0.000000e+00 : f32
          %max3A_210 = vector.broadcast %max3A : f32 to vector<16xf32>
          %max3A_211 = arith.maximumf %sub3A_209, %max3A_210 : vector<16xf32>
          tpu.vector_store_idx %arg6[%get3A_208], %max3A_211 : memref<32784xf32, #tpu.memory_space<vmem>>[vector<16xi32>], vector<16xf32>,
        }
        scf.yield %shift_right_arithmetic3A_86 : i32
      } else {
        %broadcast_in_dim3A_192 = vector.broadcast %reduce_max3A_60 : f32 to vector<16xf32>
        %add3A_193 = arith.addf %broadcast_in_dim3A_192, %cond3A_90 : vector<16xf32>
        %scan3A_194 = arith.constant 0 : i32
        %scan3A_195 = arith.constant 0 : i32
        %scan3A_196 = arith.constant 2048 : i32
        %scan3A_197 = arith.addi %scan3A_195, %scan3A_196 : i32
        %scan3A_198 = arith.constant 1 : i32
        scf.for %scan3A_201 = %scan3A_195 to %scan3A_197 step %scan3A_198  : i32 {
          %mul3A_202 = arith.constant 16 : i32
          %mul3A_203 = arith.muli %scan3A_201, %mul3A_202 : i32
          %get3A = arith.index_cast %mul3A_203 : i32 to index
          %get3A_204 = tpu.vector_load %arg4[%get3A] {strides = array<i32>} : memref<32768xf32, #tpu.memory_space<vmem>>, vector<16xf32>,
          %sub3A_205 = arith.subf %get3A_204, %add3A_193 : vector<16xf32>
          %max3A = arith.constant 0.000000e+00 : f32
          %max3A_206 = vector.broadcast %max3A : f32 to vector<16xf32>
          %max3A_207 = arith.maximumf %sub3A_205, %max3A_206 : vector<16xf32>
          %mul3A_208 = arith.constant 16 : i32
          %mul3A_209 = arith.muli %scan3A_201, %mul3A_208 : i32
          %swap3A = arith.index_cast %mul3A_209 : i32 to index
          %swap3A_210 = tpu.vector_load %arg6[%swap3A] {strides = array<i32>} : memref<32784xf32, #tpu.memory_space<vmem>>, vector<16xf32>,
          tpu.vector_store %arg6[%swap3A], %max3A_207 {strides = array<i32>} : memref<32784xf32, #tpu.memory_space<vmem>>, vector<16xf32>,
        }
        %scan3A_199 = arith.constant 2048 : i32
        %cond3A_200 = arith.constant -1 : i32
        scf.yield %cond3A_200 : i32
      }
      %dma_start3A_100 = arith.constant 0 : i32
      %dma_start3A_101 = tpu.memref_slice %arg6[%dma_start3A_100] : memref<32784xf32, #tpu.memory_space<vmem>> -> memref<32768xf32, #tpu.memory_space<vmem>>
      %dma_start3A_102 = arith.constant 0 : i32
      %dma_start3A_103 = tpu.memref_slice %arg3[%add3A_39, %dma_start3A_102] : memref<1024x32768xf32, #tpu.memory_space<hbm>> -> memref<1x32768xf32, #tpu.memory_space<hbm>>
      %dma_start3A_104 = tpu.memref_squeeze %dma_start3A_103 : memref<1x32768xf32, #tpu.memory_space<hbm>> -> memref<32768xf32, #tpu.memory_space<hbm>>
      %dma_start3A_105 = arith.constant 0 : i32
      %dma_start3A_106 = tpu.memref_slice %arg3[%add3A_39, %dma_start3A_105] : memref<1024x32768xf32, #tpu.memory_space<hbm>> -> memref<1x32768xf32, #tpu.memory_space<hbm>>
      %dma_start3A_107 = tpu.memref_squeeze %dma_start3A_106 : memref<1x32768xf32, #tpu.memory_space<hbm>> -> memref<32768xf32, #tpu.memory_space<hbm>>
      %dma_start3A_108 = arith.constant 0 : i32
      %dma_start3A_109 = tpu.memref_slice %arg6[%dma_start3A_108] : memref<32784xf32, #tpu.memory_space<vmem>> -> memref<32768xf32, #tpu.memory_space<vmem>>
      tpu.enqueue_dma source(%dma_start3A_109 : memref<32768xf32, #tpu.memory_space<vmem>>) target(%dma_start3A_107 : memref<32768xf32, #tpu.memory_space<hbm>>) target_semaphore(%arg14 : memref<!tpu.dma_semaphore, #tpu.memory_space<semaphore_mem>>)
      %add3A_110 = arith.constant 1 : i32
      %add3A_111 = arith.addi %mul3A_38, %add3A_110 : i32
      %add3A_112 = arith.addi %mul3A_2, %add3A_111 : i32
      %dma_wait3A_113 = arith.constant 0 : i32
      %dma_wait3A_114 = tpu.memref_slice %arg2[%add3A_112, %dma_wait3A_113] : memref<1024x32768xf32, #tpu.memory_space<hbm>> -> memref<1x32768xf32, #tpu.memory_space<hbm>>
      %dma_wait3A_115 = tpu.memref_squeeze %dma_wait3A_114 : memref<1x32768xf32, #tpu.memory_space<hbm>> -> memref<32768xf32, #tpu.memory_space<hbm>>
      %dma_wait3A_116 = arith.constant 0 : i32
      %dma_wait3A_117 = tpu.memref_slice %arg2[%add3A_112, %dma_wait3A_116] : memref<1024x32768xf32, #tpu.memory_space<hbm>> -> memref<1x32768xf32, #tpu.memory_space<hbm>>
      %dma_wait3A_118 = tpu.memref_squeeze %dma_wait3A_117 : memref<1x32768xf32, #tpu.memory_space<hbm>> -> memref<32768xf32, #tpu.memory_space<hbm>>
      tpu.wait_dma2 semaphore(%arg13 : memref<!tpu.dma_semaphore, #tpu.memory_space<semaphore_mem>>) src(%dma_wait3A_118 : memref<32768xf32, #tpu.memory_space<hbm>>) dst(%arg5 : memref<32768xf32, #tpu.memory_space<vmem>>)
      %add3A_119 = arith.constant 1 : i32
      %add3A_120 = arith.addi %add3A_111, %add3A_119 : i32
      %lt3A_121 = arith.constant 32 : i32
      %lt3A_122 = arith.cmpi slt, %add3A_120, %lt3A_121 : i32
      %convert_element_type3A_123 = arith.extui %lt3A_122 : i1 to i32
      %cond3A_124 = arith.constant 0 : i32
      %cond3A_125 = arith.cmpi ne, %convert_element_type3A_123, %cond3A_124 : i32
      scf.if %cond3A_125 {
        %add3A_192 = arith.constant 1 : i32
        %add3A_193 = arith.addi %add3A_112, %add3A_192 : i32
        %dma_start3A_194 = arith.constant 0 : i32
        %dma_start3A_195 = tpu.memref_slice %arg2[%add3A_193, %dma_start3A_194] : memref<1024x32768xf32, #tpu.memory_space<hbm>> -> memref<1x32768xf32, #tpu.memory_space<hbm>>
        %dma_start3A_196 = tpu.memref_squeeze %dma_start3A_195 : memref<1x32768xf32, #tpu.memory_space<hbm>> -> memref<32768xf32, #tpu.memory_space<hbm>>
        %dma_start3A_197 = arith.constant 0 : i32
        %dma_start3A_198 = tpu.memref_slice %arg2[%add3A_193, %dma_start3A_197] : memref<1024x32768xf32, #tpu.memory_space<hbm>> -> memref<1x32768xf32, #tpu.memory_space<hbm>>
        %dma_start3A_199 = tpu.memref_squeeze %dma_start3A_198 : memref<1x32768xf32, #tpu.memory_space<hbm>> -> memref<32768xf32, #tpu.memory_space<hbm>>
        tpu.enqueue_dma source(%dma_start3A_199 : memref<32768xf32, #tpu.memory_space<hbm>>) target(%arg4 : memref<32768xf32, #tpu.memory_space<vmem>>) target_semaphore(%arg12 : memref<!tpu.dma_semaphore, #tpu.memory_space<semaphore_mem>>)
      } else {
      }
      %mul3A_126 = arith.constant 512 : i32
      %mul3A_127 = vector.broadcast %mul3A_126 : i32 to vector<16xi32>
      %mul3A_128 = arith.muli %iota3A, %mul3A_127 : vector<16xi32>
      %broadcast_in_dim3A_129 = arith.constant 0xFF800000 : f32
      %broadcast_in_dim3A_130 = vector.broadcast %broadcast_in_dim3A_129 : f32 to vector<16xf32>
      %parallel_loop3A_131 = arith.constant 0 : i32
      %parallel_loop3A_132 = arith.constant 512 : i32
      %parallel_loop3A_133 = arith.constant 1 : i32
      %parallel_loop3A_134 = scf.for %parallel_loop3A_192 = %parallel_loop3A_131 to %parallel_loop3A_132 step %parallel_loop3A_133 iter_args(%parallel_loop3A_193 = %broadcast_in_dim3A_130) -> (vector<16xf32>)  : i32 {
        %parallel_loop3A_194 = arith.constant 64 : i32
        %parallel_loop3A_195 = arith.muli %parallel_loop3A_192, %parallel_loop3A_194 : i32
        %parallel_loop3A_196 = arith.index_cast %parallel_loop3A_195 : i32 to index
        %parallel_loop3A_197 = tpu.vector_load %arg5[%parallel_loop3A_196] {strides = array<i32>} : memref<32768xf32, #tpu.memory_space<vmem>>, vector<16xf32>,
        %parallel_loop3A_198 = arith.constant 16 : i32
        %parallel_loop3A_199 = arith.addi %parallel_loop3A_195, %parallel_loop3A_198 : i32
        %parallel_loop3A_200 = arith.index_cast %parallel_loop3A_199 : i32 to index
        %parallel_loop3A_201 = tpu.vector_load %arg5[%parallel_loop3A_200] {strides = array<i32>} : memref<32768xf32, #tpu.memory_space<vmem>>, vector<16xf32>,
        %parallel_loop3A_202 = arith.maximumf %parallel_loop3A_197, %parallel_loop3A_201 : vector<16xf32>
        %parallel_loop3A_203 = arith.constant 32 : i32
        %parallel_loop3A_204 = arith.addi %parallel_loop3A_195, %parallel_loop3A_203 : i32
        %parallel_loop3A_205 = arith.index_cast %parallel_loop3A_204 : i32 to index
        %parallel_loop3A_206 = tpu.vector_load %arg5[%parallel_loop3A_205] {strides = array<i32>} : memref<32768xf32, #tpu.memory_space<vmem>>, vector<16xf32>,
        %parallel_loop3A_207 = arith.maximumf %parallel_loop3A_202, %parallel_loop3A_206 : vector<16xf32>
        %parallel_loop3A_208 = arith.constant 48 : i32
        %parallel_loop3A_209 = arith.addi %parallel_loop3A_195, %parallel_loop3A_208 : i32
        %parallel_loop3A_210 = arith.index_cast %parallel_loop3A_209 : i32 to index
        %parallel_loop3A_211 = tpu.vector_load %arg5[%parallel_loop3A_210] {strides = array<i32>} : memref<32768xf32, #tpu.memory_space<vmem>>, vector<16xf32>,
        %parallel_loop3A_212 = arith.maximumf %parallel_loop3A_207, %parallel_loop3A_211 : vector<16xf32>
        %parallel_loop3A_213 = vector.broadcast %parallel_loop3A_192 : i32 to vector<16xi32>
        %parallel_loop3A_214 = arith.addi %mul3A_128, %parallel_loop3A_213 : vector<16xi32>
        tpu.vector_store_idx %arg7[%parallel_loop3A_214], %parallel_loop3A_212 : memref<8192xf32, #tpu.memory_space<vmem>>[vector<16xi32>], vector<16xf32>,
        %parallel_loop3A_215 = arith.maximumf %parallel_loop3A_193, %parallel_loop3A_212 : vector<16xf32>
        scf.yield %parallel_loop3A_215 : vector<16xf32>
      } {sc.loop_unroll_factor = 2 : i64, sc.parallel_access}
      %reduce_max3A_135 = arith.constant true
      %reduce_max3A_136 = vector.broadcast %reduce_max3A_135 : i1 to vector<16xi1>
      %reduce_max3A_137 = tpu.scan <max>, %parallel_loop3A_134 masked %reduce_max3A_136 : vector<16xf32>, vector<16xi1> -> vector<16xf32>
      %reduce_max3A_138 = vector.extract %reduce_max3A_137[15] : f32 from vector<16xf32>
      %sub3A_139 = arith.constant 1.000000e+00 : f32
      %sub3A_140 = arith.subf %reduce_max3A_138, %sub3A_139 : f32
      %broadcast_in_dim3A_141 = vector.broadcast %reduce_max3A_138 : f32 to vector<16xf32>
      %parallel_loop3A_142 = arith.constant 0 : i32
      %parallel_loop3A_143 = arith.constant 32 : i32
      %parallel_loop3A_144 = arith.constant 1 : i32
      %parallel_loop3A_145 = arith.constant 0 : i32
      %parallel_loop3A_146 = scf.for %parallel_loop3A_192 = %parallel_loop3A_142 to %parallel_loop3A_143 step %parallel_loop3A_144 iter_args(%parallel_loop3A_193 = %parallel_loop3A_145) -> (i32)  : i32 {
        %parallel_loop3A_194 = arith.constant 16 : i32
        %parallel_loop3A_195 = arith.muli %parallel_loop3A_192, %parallel_loop3A_194 : i32
        %parallel_loop3A_196 = arith.index_cast %parallel_loop3A_195 : i32 to index
        %parallel_loop3A_197 = tpu.vector_load %arg7[%parallel_loop3A_196] {strides = array<i32>} : memref<8192xf32, #tpu.memory_space<vmem>>, vector<16xf32>,
        %parallel_loop3A_198 = arith.constant 512 : i32
        %parallel_loop3A_199 = arith.addi %parallel_loop3A_198, %parallel_loop3A_195 : i32
        %parallel_loop3A_200 = arith.index_cast %parallel_loop3A_199 : i32 to index
        %parallel_loop3A_201 = tpu.vector_load %arg7[%parallel_loop3A_200] {strides = array<i32>} : memref<8192xf32, #tpu.memory_space<vmem>>, vector<16xf32>,
        %parallel_loop3A_202 = arith.maximumf %parallel_loop3A_197, %parallel_loop3A_201 : vector<16xf32>
        %parallel_loop3A_203 = arith.constant 1024 : i32
        %parallel_loop3A_204 = arith.addi %parallel_loop3A_203, %parallel_loop3A_195 : i32
        %parallel_loop3A_205 = arith.index_cast %parallel_loop3A_204 : i32 to index
        %parallel_loop3A_206 = tpu.vector_load %arg7[%parallel_loop3A_205] {strides = array<i32>} : memref<8192xf32, #tpu.memory_space<vmem>>, vector<16xf32>,
        %parallel_loop3A_207 = arith.maximumf %parallel_loop3A_202, %parallel_loop3A_206 : vector<16xf32>
        %parallel_loop3A_208 = arith.constant 1536 : i32
        %parallel_loop3A_209 = arith.addi %parallel_loop3A_208, %parallel_loop3A_195 : i32
        %parallel_loop3A_210 = arith.index_cast %parallel_loop3A_209 : i32 to index
        %parallel_loop3A_211 = tpu.vector_load %arg7[%parallel_loop3A_210] {strides = array<i32>} : memref<8192xf32, #tpu.memory_space<vmem>>, vector<16xf32>,
        %parallel_loop3A_212 = arith.maximumf %parallel_loop3A_207, %parallel_loop3A_211 : vector<16xf32>
        %parallel_loop3A_213 = arith.constant 2048 : i32
        %parallel_loop3A_214 = arith.addi %parallel_loop3A_213, %parallel_loop3A_195 : i32
        %parallel_loop3A_215 = arith.index_cast %parallel_loop3A_214 : i32 to index
        %parallel_loop3A_216 = tpu.vector_load %arg7[%parallel_loop3A_215] {strides = array<i32>} : memref<8192xf32, #tpu.memory_space<vmem>>, vector<16xf32>,
        %parallel_loop3A_217 = arith.maximumf %parallel_loop3A_212, %parallel_loop3A_216 : vector<16xf32>
        %parallel_loop3A_218 = arith.constant 2560 : i32
        %parallel_loop3A_219 = arith.addi %parallel_loop3A_218, %parallel_loop3A_195 : i32
        %parallel_loop3A_220 = arith.index_cast %parallel_loop3A_219 : i32 to index
        %parallel_loop3A_221 = tpu.vector_load %arg7[%parallel_loop3A_220] {strides = array<i32>} : memref<8192xf32, #tpu.memory_space<vmem>>, vector<16xf32>,
        %parallel_loop3A_222 = arith.maximumf %parallel_loop3A_217, %parallel_loop3A_221 : vector<16xf32>
        %parallel_loop3A_223 = arith.constant 3072 : i32
        %parallel_loop3A_224 = arith.addi %parallel_loop3A_223, %parallel_loop3A_195 : i32
        %parallel_loop3A_225 = arith.index_cast %parallel_loop3A_224 : i32 to index
        %parallel_loop3A_226 = tpu.vector_load %arg7[%parallel_loop3A_225] {strides = array<i32>} : memref<8192xf32, #tpu.memory_space<vmem>>, vector<16xf32>,
        %parallel_loop3A_227 = arith.maximumf %parallel_loop3A_222, %parallel_loop3A_226 : vector<16xf32>
        %parallel_loop3A_228 = arith.constant 3584 : i32
        %parallel_loop3A_229 = arith.addi %parallel_loop3A_228, %parallel_loop3A_195 : i32
        %parallel_loop3A_230 = arith.index_cast %parallel_loop3A_229 : i32 to index
        %parallel_loop3A_231 = tpu.vector_load %arg7[%parallel_loop3A_230] {strides = array<i32>} : memref<8192xf32, #tpu.memory_space<vmem>>, vector<16xf32>,
        %parallel_loop3A_232 = arith.maximumf %parallel_loop3A_227, %parallel_loop3A_231 : vector<16xf32>
        %parallel_loop3A_233 = arith.constant 4096 : i32
        %parallel_loop3A_234 = arith.addi %parallel_loop3A_233, %parallel_loop3A_195 : i32
        %parallel_loop3A_235 = arith.index_cast %parallel_loop3A_234 : i32 to index
        %parallel_loop3A_236 = tpu.vector_load %arg7[%parallel_loop3A_235] {strides = array<i32>} : memref<8192xf32, #tpu.memory_space<vmem>>, vector<16xf32>,
        %parallel_loop3A_237 = arith.maximumf %parallel_loop3A_232, %parallel_loop3A_236 : vector<16xf32>
        %parallel_loop3A_238 = arith.constant 4608 : i32
        %parallel_loop3A_239 = arith.addi %parallel_loop3A_238, %parallel_loop3A_195 : i32
        %parallel_loop3A_240 = arith.index_cast %parallel_loop3A_239 : i32 to index
        %parallel_loop3A_241 = tpu.vector_load %arg7[%parallel_loop3A_240] {strides = array<i32>} : memref<8192xf32, #tpu.memory_space<vmem>>, vector<16xf32>,
        %parallel_loop3A_242 = arith.maximumf %parallel_loop3A_237, %parallel_loop3A_241 : vector<16xf32>
        %parallel_loop3A_243 = arith.constant 5120 : i32
        %parallel_loop3A_244 = arith.addi %parallel_loop3A_243, %parallel_loop3A_195 : i32
        %parallel_loop3A_245 = arith.index_cast %parallel_loop3A_244 : i32 to index
        %parallel_loop3A_246 = tpu.vector_load %arg7[%parallel_loop3A_245] {strides = array<i32>} : memref<8192xf32, #tpu.memory_space<vmem>>, vector<16xf32>,
        %parallel_loop3A_247 = arith.maximumf %parallel_loop3A_242, %parallel_loop3A_246 : vector<16xf32>
        %parallel_loop3A_248 = arith.constant 5632 : i32
        %parallel_loop3A_249 = arith.addi %parallel_loop3A_248, %parallel_loop3A_195 : i32
        %parallel_loop3A_250 = arith.index_cast %parallel_loop3A_249 : i32 to index
        %parallel_loop3A_251 = tpu.vector_load %arg7[%parallel_loop3A_250] {strides = array<i32>} : memref<8192xf32, #tpu.memory_space<vmem>>, vector<16xf32>,
        %parallel_loop3A_252 = arith.maximumf %parallel_loop3A_247, %parallel_loop3A_251 : vector<16xf32>
        %parallel_loop3A_253 = arith.constant 6144 : i32
        %parallel_loop3A_254 = arith.addi %parallel_loop3A_253, %parallel_loop3A_195 : i32
        %parallel_loop3A_255 = arith.index_cast %parallel_loop3A_254 : i32 to index
        %parallel_loop3A_256 = tpu.vector_load %arg7[%parallel_loop3A_255] {strides = array<i32>} : memref<8192xf32, #tpu.memory_space<vmem>>, vector<16xf32>,
        %parallel_loop3A_257 = arith.maximumf %parallel_loop3A_252, %parallel_loop3A_256 : vector<16xf32>
        %parallel_loop3A_258 = arith.constant 6656 : i32
        %parallel_loop3A_259 = arith.addi %parallel_loop3A_258, %parallel_loop3A_195 : i32
        %parallel_loop3A_260 = arith.index_cast %parallel_loop3A_259 : i32 to index
        %parallel_loop3A_261 = tpu.vector_load %arg7[%parallel_loop3A_260] {strides = array<i32>} : memref<8192xf32, #tpu.memory_space<vmem>>, vector<16xf32>,
        %parallel_loop3A_262 = arith.maximumf %parallel_loop3A_257, %parallel_loop3A_261 : vector<16xf32>
        %parallel_loop3A_263 = arith.constant 7168 : i32
        %parallel_loop3A_264 = arith.addi %parallel_loop3A_263, %parallel_loop3A_195 : i32
        %parallel_loop3A_265 = arith.index_cast %parallel_loop3A_264 : i32 to index
        %parallel_loop3A_266 = tpu.vector_load %arg7[%parallel_loop3A_265] {strides = array<i32>} : memref<8192xf32, #tpu.memory_space<vmem>>, vector<16xf32>,
        %parallel_loop3A_267 = arith.maximumf %parallel_loop3A_262, %parallel_loop3A_266 : vector<16xf32>
        %parallel_loop3A_268 = arith.constant 7680 : i32
        %parallel_loop3A_269 = arith.addi %parallel_loop3A_268, %parallel_loop3A_195 : i32
        %parallel_loop3A_270 = arith.index_cast %parallel_loop3A_269 : i32 to index
        %parallel_loop3A_271 = tpu.vector_load %arg7[%parallel_loop3A_270] {strides = array<i32>} : memref<8192xf32, #tpu.memory_space<vmem>>, vector<16xf32>,
        %parallel_loop3A_272 = arith.maximumf %parallel_loop3A_267, %parallel_loop3A_271 : vector<16xf32>
        %parallel_loop3A_273 = vector.broadcast %sub3A_140 : f32 to vector<16xf32>
        %parallel_loop3A_274 = arith.cmpf ogt, %parallel_loop3A_272, %parallel_loop3A_273 : vector<16xf32>
        %parallel_loop3A_275 = vector.broadcast %parallel_loop3A_195 : i32 to vector<16xi32>
        %parallel_loop3A_276 = arith.addi %parallel_loop3A_275, %iota3A : vector<16xi32>
        %parallel_loop3A_277 = arith.index_cast %parallel_loop3A_193 : i32 to index
        %parallel_loop3A_278 = tpu.vector_load %arg8[%parallel_loop3A_277] masked %parallel_loop3A_274 {strides = array<i32>} : memref<512xi32, #tpu.memory_space<vmem>>, vector<16xi32>, vector<16xi1>
        tpu.vector_store %arg8[%parallel_loop3A_277], %parallel_loop3A_276 masked %parallel_loop3A_274 {strides = array<i32>} : memref<512xi32, #tpu.memory_space<vmem>>, vector<16xi32>, vector<16xi1>
        %parallel_loop3A_279 = tpu.all_reduce %parallel_loop3A_274 {dim = 0 : i64, kind = #tpu.reduction_kind<sum>} : vector<16xi1> -> vector<16xi32>
        %parallel_loop3A_280 = vector.extract_strided_slice %parallel_loop3A_279 {offsets = [0], sizes = [1], strides = [1]} : vector<16xi32> to vector<1xi32>
        %parallel_loop3A_281 = vector.extract %parallel_loop3A_280[0] : i32 from vector<1xi32>
        %parallel_loop3A_282 = arith.addi %parallel_loop3A_193, %parallel_loop3A_281 : i32
        scf.yield %parallel_loop3A_282 : i32
      } {sc.loop_unroll_factor = 1 : i64, sc.parallel_access}
      %parallel_loop3A_147 = arith.constant 0 : i32
      %parallel_loop3A_148 = arith.constant 1 : i32
      %parallel_loop3A_149 = arith.constant 0 : i32
      %parallel_loop3A_150 = scf.for %parallel_loop3A_192 = %parallel_loop3A_147 to %parallel_loop3A_146 step %parallel_loop3A_148 iter_args(%parallel_loop3A_193 = %parallel_loop3A_149) -> (i32)  : i32 {
        %parallel_loop3A_194 = vector.broadcast %parallel_loop3A_192 : i32 to vector<16xi32>
        %parallel_loop3A_195 = tpu.vector_load_idx %arg8[%parallel_loop3A_194] : memref<512xi32, #tpu.memory_space<vmem>>[vector<16xi32>], vector<16xi32>,
        %parallel_loop3A_196 = vector.extract_strided_slice %parallel_loop3A_195 {offsets = [0], sizes = [1], strides = [1]} : vector<16xi32> to vector<1xi32>
        %parallel_loop3A_197 = vector.extract %parallel_loop3A_196[0] : i32 from vector<1xi32>
        %parallel_loop3A_198 = arith.constant 64 : i32
        %parallel_loop3A_199 = arith.muli %parallel_loop3A_197, %parallel_loop3A_198 : i32
        %parallel_loop3A_200 = arith.constant 0 : i32
        %parallel_loop3A_201 = arith.addi %parallel_loop3A_199, %parallel_loop3A_200 : i32
        %parallel_loop3A_202 = arith.index_cast %parallel_loop3A_201 : i32 to index
        %parallel_loop3A_203 = tpu.vector_load %arg5[%parallel_loop3A_202] {strides = array<i32>} : memref<32768xf32, #tpu.memory_space<vmem>>, vector<16xf32>,
        %parallel_loop3A_204 = vector.broadcast %sub3A_140 : f32 to vector<16xf32>
        %parallel_loop3A_205 = arith.cmpf ogt, %parallel_loop3A_203, %parallel_loop3A_204 : vector<16xf32>
        %parallel_loop3A_206 = arith.constant 2048 : i32
        %parallel_loop3A_207 = arith.minsi %parallel_loop3A_193, %parallel_loop3A_206 : i32
        %parallel_loop3A_208 = arith.subf %parallel_loop3A_203, %broadcast_in_dim3A_141 : vector<16xf32>
        %parallel_loop3A_209 = arith.index_cast %parallel_loop3A_207 : i32 to index
        %parallel_loop3A_210 = tpu.vector_load %arg9[%parallel_loop3A_209] masked %parallel_loop3A_205 {strides = array<i32>} : memref<2064xf32, #tpu.memory_space<vmem>>, vector<16xf32>, vector<16xi1>
        tpu.vector_store %arg9[%parallel_loop3A_209], %parallel_loop3A_208 masked %parallel_loop3A_205 {strides = array<i32>} : memref<2064xf32, #tpu.memory_space<vmem>>, vector<16xf32>, vector<16xi1>
        %parallel_loop3A_211 = arith.constant 0 : i32
        %parallel_loop3A_212 = arith.addi %parallel_loop3A_199, %parallel_loop3A_211 : i32
        %parallel_loop3A_213 = vector.broadcast %parallel_loop3A_212 : i32 to vector<16xi32>
        %parallel_loop3A_214 = arith.addi %parallel_loop3A_213, %iota3A : vector<16xi32>
        %parallel_loop3A_215 = arith.index_cast %parallel_loop3A_207 : i32 to index
        %parallel_loop3A_216 = tpu.vector_load %arg11[%parallel_loop3A_215] masked %parallel_loop3A_205 {strides = array<i32>} : memref<2064xi32, #tpu.memory_space<vmem>>, vector<16xi32>, vector<16xi1>
        tpu.vector_store %arg11[%parallel_loop3A_215], %parallel_loop3A_214 masked %parallel_loop3A_205 {strides = array<i32>} : memref<2064xi32, #tpu.memory_space<vmem>>, vector<16xi32>, vector<16xi1>
        %parallel_loop3A_217 = tpu.all_reduce %parallel_loop3A_205 {dim = 0 : i64, kind = #tpu.reduction_kind<sum>} : vector<16xi1> -> vector<16xi32>
        %parallel_loop3A_218 = vector.extract_strided_slice %parallel_loop3A_217 {offsets = [0], sizes = [1], strides = [1]} : vector<16xi32> to vector<1xi32>
        %parallel_loop3A_219 = vector.extract %parallel_loop3A_218[0] : i32 from vector<1xi32>
        %parallel_loop3A_220 = arith.addi %parallel_loop3A_193, %parallel_loop3A_219 : i32
        %parallel_loop3A_221 = arith.constant 16 : i32
        %parallel_loop3A_222 = arith.addi %parallel_loop3A_199, %parallel_loop3A_221 : i32
        %parallel_loop3A_223 = arith.index_cast %parallel_loop3A_222 : i32 to index
        %parallel_loop3A_224 = tpu.vector_load %arg5[%parallel_loop3A_223] {strides = array<i32>} : memref<32768xf32, #tpu.memory_space<vmem>>, vector<16xf32>,
        %parallel_loop3A_225 = vector.broadcast %sub3A_140 : f32 to vector<16xf32>
        %parallel_loop3A_226 = arith.cmpf ogt, %parallel_loop3A_224, %parallel_loop3A_225 : vector<16xf32>
        %parallel_loop3A_227 = arith.constant 2048 : i32
        %parallel_loop3A_228 = arith.minsi %parallel_loop3A_220, %parallel_loop3A_227 : i32
        %parallel_loop3A_229 = arith.subf %parallel_loop3A_224, %broadcast_in_dim3A_141 : vector<16xf32>
        %parallel_loop3A_230 = arith.index_cast %parallel_loop3A_228 : i32 to index
        %parallel_loop3A_231 = tpu.vector_load %arg9[%parallel_loop3A_230] masked %parallel_loop3A_226 {strides = array<i32>} : memref<2064xf32, #tpu.memory_space<vmem>>, vector<16xf32>, vector<16xi1>
        tpu.vector_store %arg9[%parallel_loop3A_230], %parallel_loop3A_229 masked %parallel_loop3A_226 {strides = array<i32>} : memref<2064xf32, #tpu.memory_space<vmem>>, vector<16xf32>, vector<16xi1>
        %parallel_loop3A_232 = arith.constant 16 : i32
        %parallel_loop3A_233 = arith.addi %parallel_loop3A_199, %parallel_loop3A_232 : i32
        %parallel_loop3A_234 = vector.broadcast %parallel_loop3A_233 : i32 to vector<16xi32>
        %parallel_loop3A_235 = arith.addi %parallel_loop3A_234, %iota3A : vector<16xi32>
        %parallel_loop3A_236 = arith.index_cast %parallel_loop3A_228 : i32 to index
        %parallel_loop3A_237 = tpu.vector_load %arg11[%parallel_loop3A_236] masked %parallel_loop3A_226 {strides = array<i32>} : memref<2064xi32, #tpu.memory_space<vmem>>, vector<16xi32>, vector<16xi1>
        tpu.vector_store %arg11[%parallel_loop3A_236], %parallel_loop3A_235 masked %parallel_loop3A_226 {strides = array<i32>} : memref<2064xi32, #tpu.memory_space<vmem>>, vector<16xi32>, vector<16xi1>
        %parallel_loop3A_238 = tpu.all_reduce %parallel_loop3A_226 {dim = 0 : i64, kind = #tpu.reduction_kind<sum>} : vector<16xi1> -> vector<16xi32>
        %parallel_loop3A_239 = vector.extract_strided_slice %parallel_loop3A_238 {offsets = [0], sizes = [1], strides = [1]} : vector<16xi32> to vector<1xi32>
        %parallel_loop3A_240 = vector.extract %parallel_loop3A_239[0] : i32 from vector<1xi32>
        %parallel_loop3A_241 = arith.addi %parallel_loop3A_220, %parallel_loop3A_240 : i32
        %parallel_loop3A_242 = arith.constant 32 : i32
        %parallel_loop3A_243 = arith.addi %parallel_loop3A_199, %parallel_loop3A_242 : i32
        %parallel_loop3A_244 = arith.index_cast %parallel_loop3A_243 : i32 to index
        %parallel_loop3A_245 = tpu.vector_load %arg5[%parallel_loop3A_244] {strides = array<i32>} : memref<32768xf32, #tpu.memory_space<vmem>>, vector<16xf32>,
        %parallel_loop3A_246 = vector.broadcast %sub3A_140 : f32 to vector<16xf32>
        %parallel_loop3A_247 = arith.cmpf ogt, %parallel_loop3A_245, %parallel_loop3A_246 : vector<16xf32>
        %parallel_loop3A_248 = arith.constant 2048 : i32
        %parallel_loop3A_249 = arith.minsi %parallel_loop3A_241, %parallel_loop3A_248 : i32
        %parallel_loop3A_250 = arith.subf %parallel_loop3A_245, %broadcast_in_dim3A_141 : vector<16xf32>
        %parallel_loop3A_251 = arith.index_cast %parallel_loop3A_249 : i32 to index
        %parallel_loop3A_252 = tpu.vector_load %arg9[%parallel_loop3A_251] masked %parallel_loop3A_247 {strides = array<i32>} : memref<2064xf32, #tpu.memory_space<vmem>>, vector<16xf32>, vector<16xi1>
        tpu.vector_store %arg9[%parallel_loop3A_251], %parallel_loop3A_250 masked %parallel_loop3A_247 {strides = array<i32>} : memref<2064xf32, #tpu.memory_space<vmem>>, vector<16xf32>, vector<16xi1>
        %parallel_loop3A_253 = arith.constant 32 : i32
        %parallel_loop3A_254 = arith.addi %parallel_loop3A_199, %parallel_loop3A_253 : i32
        %parallel_loop3A_255 = vector.broadcast %parallel_loop3A_254 : i32 to vector<16xi32>
        %parallel_loop3A_256 = arith.addi %parallel_loop3A_255, %iota3A : vector<16xi32>
        %parallel_loop3A_257 = arith.index_cast %parallel_loop3A_249 : i32 to index
        %parallel_loop3A_258 = tpu.vector_load %arg11[%parallel_loop3A_257] masked %parallel_loop3A_247 {strides = array<i32>} : memref<2064xi32, #tpu.memory_space<vmem>>, vector<16xi32>, vector<16xi1>
        tpu.vector_store %arg11[%parallel_loop3A_257], %parallel_loop3A_256 masked %parallel_loop3A_247 {strides = array<i32>} : memref<2064xi32, #tpu.memory_space<vmem>>, vector<16xi32>, vector<16xi1>
        %parallel_loop3A_259 = tpu.all_reduce %parallel_loop3A_247 {dim = 0 : i64, kind = #tpu.reduction_kind<sum>} : vector<16xi1> -> vector<16xi32>
        %parallel_loop3A_260 = vector.extract_strided_slice %parallel_loop3A_259 {offsets = [0], sizes = [1], strides = [1]} : vector<16xi32> to vector<1xi32>
        %parallel_loop3A_261 = vector.extract %parallel_loop3A_260[0] : i32 from vector<1xi32>
        %parallel_loop3A_262 = arith.addi %parallel_loop3A_241, %parallel_loop3A_261 : i32
        %parallel_loop3A_263 = arith.constant 48 : i32
        %parallel_loop3A_264 = arith.addi %parallel_loop3A_199, %parallel_loop3A_263 : i32
        %parallel_loop3A_265 = arith.index_cast %parallel_loop3A_264 : i32 to index
        %parallel_loop3A_266 = tpu.vector_load %arg5[%parallel_loop3A_265] {strides = array<i32>} : memref<32768xf32, #tpu.memory_space<vmem>>, vector<16xf32>,
        %parallel_loop3A_267 = vector.broadcast %sub3A_140 : f32 to vector<16xf32>
        %parallel_loop3A_268 = arith.cmpf ogt, %parallel_loop3A_266, %parallel_loop3A_267 : vector<16xf32>
        %parallel_loop3A_269 = arith.constant 2048 : i32
        %parallel_loop3A_270 = arith.minsi %parallel_loop3A_262, %parallel_loop3A_269 : i32
        %parallel_loop3A_271 = arith.subf %parallel_loop3A_266, %broadcast_in_dim3A_141 : vector<16xf32>
        %parallel_loop3A_272 = arith.index_cast %parallel_loop3A_270 : i32 to index
        %parallel_loop3A_273 = tpu.vector_load %arg9[%parallel_loop3A_272] masked %parallel_loop3A_268 {strides = array<i32>} : memref<2064xf32, #tpu.memory_space<vmem>>, vector<16xf32>, vector<16xi1>
        tpu.vector_store %arg9[%parallel_loop3A_272], %parallel_loop3A_271 masked %parallel_loop3A_268 {strides = array<i32>} : memref<2064xf32, #tpu.memory_space<vmem>>, vector<16xf32>, vector<16xi1>
        %parallel_loop3A_274 = arith.constant 48 : i32
        %parallel_loop3A_275 = arith.addi %parallel_loop3A_199, %parallel_loop3A_274 : i32
        %parallel_loop3A_276 = vector.broadcast %parallel_loop3A_275 : i32 to vector<16xi32>
        %parallel_loop3A_277 = arith.addi %parallel_loop3A_276, %iota3A : vector<16xi32>
        %parallel_loop3A_278 = arith.index_cast %parallel_loop3A_270 : i32 to index
        %parallel_loop3A_279 = tpu.vector_load %arg11[%parallel_loop3A_278] masked %parallel_loop3A_268 {strides = array<i32>} : memref<2064xi32, #tpu.memory_space<vmem>>, vector<16xi32>, vector<16xi1>
        tpu.vector_store %arg11[%parallel_loop3A_278], %parallel_loop3A_277 masked %parallel_loop3A_268 {strides = array<i32>} : memref<2064xi32, #tpu.memory_space<vmem>>, vector<16xi32>, vector<16xi1>
        %parallel_loop3A_280 = tpu.all_reduce %parallel_loop3A_268 {dim = 0 : i64, kind = #tpu.reduction_kind<sum>} : vector<16xi1> -> vector<16xi32>
        %parallel_loop3A_281 = vector.extract_strided_slice %parallel_loop3A_280 {offsets = [0], sizes = [1], strides = [1]} : vector<16xi32> to vector<1xi32>
        %parallel_loop3A_282 = vector.extract %parallel_loop3A_281[0] : i32 from vector<1xi32>
        %parallel_loop3A_283 = arith.addi %parallel_loop3A_262, %parallel_loop3A_282 : i32
        scf.yield %parallel_loop3A_283 : i32
      } {sc.loop_unroll_factor = 1 : i64, sc.parallel_access}
      %min3A_151 = arith.constant 2048 : i32
      %min3A_152 = arith.minsi %parallel_loop3A_150, %min3A_151 : i32
      %add3A_153 = vector.broadcast %min3A_152 : i32 to vector<16xi32>
      %add3A_154 = arith.addi %add3A_153, %iota3A : vector<16xi32>
      %broadcast_in_dim3A_155 = arith.constant -2.000000e+00 : f32
      %broadcast_in_dim3A_156 = vector.broadcast %broadcast_in_dim3A_155 : f32 to vector<16xf32>
      tpu.vector_store_idx %arg9[%add3A_154], %broadcast_in_dim3A_156 : memref<2064xf32, #tpu.memory_space<vmem>>[vector<16xi32>], vector<16xf32>,
      %add3A_157 = vector.broadcast %min3A_152 : i32 to vector<16xi32>
      %add3A_158 = arith.addi %add3A_157, %iota3A : vector<16xi32>
      %broadcast_in_dim3A_159 = arith.constant 32768 : i32
      %broadcast_in_dim3A_160 = vector.broadcast %broadcast_in_dim3A_159 : i32 to vector<16xi32>
      %add3A_161 = arith.addi %broadcast_in_dim3A_160, %iota3A : vector<16xi32>
      tpu.vector_store_idx %arg11[%add3A_158], %add3A_161 : memref<2064xi32, #tpu.memory_space<vmem>>[vector<16xi32>], vector<16xi32>,
      %le3A_162 = arith.constant 2048 : i32
      %le3A_163 = arith.cmpi sle, %parallel_loop3A_150, %le3A_162 : i32
      %add3A_164 = arith.constant 15 : i32
      %add3A_165 = arith.addi %min3A_152, %add3A_164 : i32
      %shift_right_arithmetic3A_166 = arith.constant 4 : i32
      %shift_right_arithmetic3A_167 = arith.shrsi %add3A_165, %shift_right_arithmetic3A_166 : i32
      %convert_element_type3A_168 = arith.extui %le3A_163 : i1 to i32
      %cond3A_169 = arith.constant 0 : i32
      %cond3A_170 = arith.cmpi ne, %convert_element_type3A_168, %cond3A_169 : i32
      %cond3A_171 = scf.if %cond3A_170 -> (vector<16xf32>) {
        %scan3A_192 = arith.constant -1.000000e+00 : f32
        %scan3A_193 = arith.constant 0.000000e+00 : f32
        %scan3A_194 = arith.constant 0 : i32
        %scan3A_195 = arith.constant 25 : i32
        %scan3A_196 = arith.addi %scan3A_194, %scan3A_195 : i32
        %scan3A_197 = arith.constant 1 : i32
        %scan3A_198:2 = scf.for %scan3A_222 = %scan3A_194 to %scan3A_196 step %scan3A_197 iter_args(%scan3A_223 = %scan3A_192, %scan3A_224 = %scan3A_193) -> (f32, f32)  : i32 {
          %add3A_225 = arith.addf %scan3A_223, %scan3A_224 : f32
          %mul3A_226 = arith.constant 5.000000e-01 : f32
          %mul3A_227 = arith.mulf %mul3A_226, %add3A_225 : f32
          %while3A_228 = arith.constant 0 : i32
          %while3A_229 = arith.subi %shift_right_arithmetic3A_167, %while3A_228 : i32
          %while3A_230 = arith.addi %while3A_228, %while3A_229 : i32
          %while3A_231 = arith.constant 1 : i32
          %while3A_232 = arith.divsi %while3A_229, %while3A_231 : i32
          %while3A_233 = arith.muli %while3A_232, %while3A_231 : i32
          %while3A_234 = arith.addi %while3A_228, %while3A_233 : i32
          %while3A_235 = arith.constant 1 : i32
          %while3A_236 = scf.for %while3A_247 = %while3A_228 to %while3A_234 step %while3A_235 iter_args(%while3A_248 = %broadcast_in_dim3A_3) -> (vector<16xf32>)  : i32 {
            %mul3A_249 = arith.constant 16 : i32
            %mul3A_250 = arith.muli %while3A_247, %mul3A_249 : i32
            %get3A = arith.index_cast %mul3A_250 : i32 to index
            %get3A_251 = tpu.vector_load %arg9[%get3A] {strides = array<i32>} : memref<2064xf32, #tpu.memory_space<vmem>>, vector<16xf32>,
            %sub3A_252 = vector.broadcast %mul3A_227 : f32 to vector<16xf32>
            %sub3A_253 = arith.subf %get3A_251, %sub3A_252 : vector<16xf32>
            %max3A = arith.constant 0.000000e+00 : f32
            %max3A_254 = vector.broadcast %max3A : f32 to vector<16xf32>
            %max3A_255 = arith.maximumf %sub3A_253, %max3A_254 : vector<16xf32>
            %add3A_256 = arith.addf %while3A_248, %max3A_255 : vector<16xf32>
            scf.yield %add3A_256 : vector<16xf32>
          }
          %while3A_237 = arith.constant 1 : i32
          %while3A_238 = scf.for %while3A_247 = %while3A_234 to %while3A_230 step %while3A_237 iter_args(%while3A_248 = %while3A_236) -> (vector<16xf32>)  : i32 {
            %mul3A_249 = arith.constant 16 : i32
            %mul3A_250 = arith.muli %while3A_247, %mul3A_249 : i32
            %get3A = arith.index_cast %mul3A_250 : i32 to index
            %get3A_251 = tpu.vector_load %arg9[%get3A] {strides = array<i32>} : memref<2064xf32, #tpu.memory_space<vmem>>, vector<16xf32>,
            %sub3A_252 = vector.broadcast %mul3A_227 : f32 to vector<16xf32>
            %sub3A_253 = arith.subf %get3A_251, %sub3A_252 : vector<16xf32>
            %max3A = arith.constant 0.000000e+00 : f32
            %max3A_254 = vector.broadcast %max3A : f32 to vector<16xf32>
            %max3A_255 = arith.maximumf %sub3A_253, %max3A_254 : vector<16xf32>
            %add3A_256 = arith.addf %while3A_248, %max3A_255 : vector<16xf32>
            scf.yield %add3A_256 : vector<16xf32>
          }
          %reduce_sum3A_239 = arith.constant true
          %reduce_sum3A_240 = vector.broadcast %reduce_sum3A_239 : i1 to vector<16xi1>
          %reduce_sum3A_241 = tpu.scan <sum>, %while3A_238 masked %reduce_sum3A_240 : vector<16xf32>, vector<16xi1> -> vector<16xf32>
          %reduce_sum3A_242 = vector.extract %reduce_sum3A_241[15] : f32 from vector<16xf32>
          %sub3A_243 = arith.constant 1.000000e+00 : f32
          %sub3A_244 = arith.subf %reduce_sum3A_242, %sub3A_243 : f32
          %ge3A = arith.constant 0.000000e+00 : f32
          %ge3A_245 = arith.cmpf oge, %sub3A_244, %ge3A : f32
          %select_n3A = arith.select %ge3A_245, %mul3A_227, %scan3A_223 : f32
          %select_n3A_246 = arith.select %ge3A_245, %scan3A_224, %mul3A_227 : f32
          scf.yield %select_n3A, %select_n3A_246 : f32, f32
        }
        %scan3A_199 = arith.constant 25 : i32
        %while3A = arith.constant 0 : i32
        %while3A_200 = arith.subi %shift_right_arithmetic3A_167, %while3A : i32
        %while3A_201 = arith.addi %while3A, %while3A_200 : i32
        %while3A_202 = arith.constant 1 : i32
        %while3A_203 = arith.divsi %while3A_200, %while3A_202 : i32
        %while3A_204 = arith.muli %while3A_203, %while3A_202 : i32
        %while3A_205 = arith.addi %while3A, %while3A_204 : i32
        %while3A_206 = arith.constant 1 : i32
        %while3A_207:2 = scf.for %while3A_222 = %while3A to %while3A_205 step %while3A_206 iter_args(%while3A_223 = %broadcast_in_dim3A_3, %while3A_224 = %broadcast_in_dim3A_5) -> (vector<16xf32>, vector<16xi32>)  : i32 {
          %mul3A_225 = arith.constant 16 : i32
          %mul3A_226 = arith.muli %while3A_222, %mul3A_225 : i32
          %get3A = arith.index_cast %mul3A_226 : i32 to index
          %get3A_227 = tpu.vector_load %arg9[%get3A] {strides = array<i32>} : memref<2064xf32, #tpu.memory_space<vmem>>, vector<16xf32>,
          %gt3A_228 = vector.broadcast %scan3A_198#0 : f32 to vector<16xf32>
          %gt3A_229 = arith.cmpf ogt, %get3A_227, %gt3A_228 : vector<16xf32>
          %jit3A = arith.constant 0.000000e+00 : f32
          %broadcast_in_dim3A_230 = vector.broadcast %jit3A : f32 to vector<16xf32>
          %select_n3A = arith.select %gt3A_229, %get3A_227, %broadcast_in_dim3A_230 : vector<16xi1>, vector<16xf32>
          %add3A_231 = arith.addf %while3A_223, %select_n3A : vector<16xf32>
          %convert_element_type3A_232 = arith.extui %gt3A_229 : vector<16xi1> to vector<16xi32>
          %add3A_233 = arith.addi %while3A_224, %convert_element_type3A_232 : vector<16xi32>
          scf.yield %add3A_231, %add3A_233 : vector<16xf32>, vector<16xi32>
        }
        %while3A_208 = arith.constant 1 : i32
        %while3A_209:2 = scf.for %while3A_222 = %while3A_205 to %while3A_201 step %while3A_208 iter_args(%while3A_223 = %while3A_207#0, %while3A_224 = %while3A_207#1) -> (vector<16xf32>, vector<16xi32>)  : i32 {
          %mul3A_225 = arith.constant 16 : i32
          %mul3A_226 = arith.muli %while3A_222, %mul3A_225 : i32
          %get3A = arith.index_cast %mul3A_226 : i32 to index
          %get3A_227 = tpu.vector_load %arg9[%get3A] {strides = array<i32>} : memref<2064xf32, #tpu.memory_space<vmem>>, vector<16xf32>,
          %gt3A_228 = vector.broadcast %scan3A_198#0 : f32 to vector<16xf32>
          %gt3A_229 = arith.cmpf ogt, %get3A_227, %gt3A_228 : vector<16xf32>
          %jit3A = arith.constant 0.000000e+00 : f32
          %broadcast_in_dim3A_230 = vector.broadcast %jit3A : f32 to vector<16xf32>
          %select_n3A = arith.select %gt3A_229, %get3A_227, %broadcast_in_dim3A_230 : vector<16xi1>, vector<16xf32>
          %add3A_231 = arith.addf %while3A_223, %select_n3A : vector<16xf32>
          %convert_element_type3A_232 = arith.extui %gt3A_229 : vector<16xi1> to vector<16xi32>
          %add3A_233 = arith.addi %while3A_224, %convert_element_type3A_232 : vector<16xi32>
          scf.yield %add3A_231, %add3A_233 : vector<16xf32>, vector<16xi32>
        }
        %reduce_sum3A = arith.constant true
        %reduce_sum3A_210 = vector.broadcast %reduce_sum3A : i1 to vector<16xi1>
        %reduce_sum3A_211 = tpu.scan <sum>, %while3A_209#0 masked %reduce_sum3A_210 : vector<16xf32>, vector<16xi1> -> vector<16xf32>
        %reduce_sum3A_212 = vector.extract %reduce_sum3A_211[15] : f32 from vector<16xf32>
        %sub3A_213 = arith.constant 1.000000e+00 : f32
        %sub3A_214 = arith.subf %reduce_sum3A_212, %sub3A_213 : f32
        %broadcast_in_dim3A_215 = vector.broadcast %sub3A_214 : f32 to vector<16xf32>
        %reduce_sum3A_216 = arith.constant true
        %reduce_sum3A_217 = vector.broadcast %reduce_sum3A_216 : i1 to vector<16xi1>
        %reduce_sum3A_218 = tpu.scan <sum>, %while3A_209#1 masked %reduce_sum3A_217 : vector<16xi32>, vector<16xi1> -> vector<16xi32>
        %reduce_sum3A_219 = vector.extract %reduce_sum3A_218[15] : i32 from vector<16xi32>
        %convert_element_type3A_220 = arith.sitofp %reduce_sum3A_219 : i32 to f32
        %broadcast_in_dim3A_221 = vector.broadcast %convert_element_type3A_220 : f32 to vector<16xf32>
        %div3A = arith.divf %broadcast_in_dim3A_215, %broadcast_in_dim3A_221 : vector<16xf32>
        scf.yield %div3A : vector<16xf32>
      } else {
        %scan3A_192 = arith.constant -1.000000e+00 : f32
        %scan3A_193 = arith.constant 0.000000e+00 : f32
        %scan3A_194 = arith.constant 0 : i32
        %scan3A_195 = arith.constant 25 : i32
        %scan3A_196 = arith.addi %scan3A_194, %scan3A_195 : i32
        %scan3A_197 = arith.constant 1 : i32
        %scan3A_198:2 = scf.for %scan3A_218 = %scan3A_194 to %scan3A_196 step %scan3A_197 iter_args(%scan3A_219 = %scan3A_192, %scan3A_220 = %scan3A_193) -> (f32, f32)  : i32 {
          %add3A_221 = arith.addf %scan3A_219, %scan3A_220 : f32
          %mul3A_222 = arith.constant 5.000000e-01 : f32
          %mul3A_223 = arith.mulf %mul3A_222, %add3A_221 : f32
          %scan3A_224 = arith.constant 0 : i32
          %scan3A_225 = arith.constant 2048 : i32
          %scan3A_226 = arith.addi %scan3A_224, %scan3A_225 : i32
          %scan3A_227 = arith.constant 1 : i32
          %scan3A_228 = scf.for %scan3A_238 = %scan3A_224 to %scan3A_226 step %scan3A_227 iter_args(%scan3A_239 = %broadcast_in_dim3A_3) -> (vector<16xf32>)  : i32 {
            %mul3A_240 = arith.constant 16 : i32
            %mul3A_241 = arith.muli %scan3A_238, %mul3A_240 : i32
            %get3A = arith.index_cast %mul3A_241 : i32 to index
            %get3A_242 = tpu.vector_load %arg5[%get3A] {strides = array<i32>} : memref<32768xf32, #tpu.memory_space<vmem>>, vector<16xf32>,
            %sub3A_243 = vector.broadcast %reduce_max3A_138 : f32 to vector<16xf32>
            %sub3A_244 = arith.subf %get3A_242, %sub3A_243 : vector<16xf32>
            %sub3A_245 = vector.broadcast %mul3A_223 : f32 to vector<16xf32>
            %sub3A_246 = arith.subf %sub3A_244, %sub3A_245 : vector<16xf32>
            %max3A = arith.constant 0.000000e+00 : f32
            %max3A_247 = vector.broadcast %max3A : f32 to vector<16xf32>
            %max3A_248 = arith.maximumf %sub3A_246, %max3A_247 : vector<16xf32>
            %add3A_249 = arith.addf %scan3A_239, %max3A_248 : vector<16xf32>
            scf.yield %add3A_249 : vector<16xf32>
          }
          %scan3A_229 = arith.constant 2048 : i32
          %reduce_sum3A_230 = arith.constant true
          %reduce_sum3A_231 = vector.broadcast %reduce_sum3A_230 : i1 to vector<16xi1>
          %reduce_sum3A_232 = tpu.scan <sum>, %scan3A_228 masked %reduce_sum3A_231 : vector<16xf32>, vector<16xi1> -> vector<16xf32>
          %reduce_sum3A_233 = vector.extract %reduce_sum3A_232[15] : f32 from vector<16xf32>
          %sub3A_234 = arith.constant 1.000000e+00 : f32
          %sub3A_235 = arith.subf %reduce_sum3A_233, %sub3A_234 : f32
          %ge3A = arith.constant 0.000000e+00 : f32
          %ge3A_236 = arith.cmpf oge, %sub3A_235, %ge3A : f32
          %select_n3A = arith.select %ge3A_236, %mul3A_223, %scan3A_219 : f32
          %select_n3A_237 = arith.select %ge3A_236, %scan3A_220, %mul3A_223 : f32
          scf.yield %select_n3A, %select_n3A_237 : f32, f32
        }
        %scan3A_199 = arith.constant 25 : i32
        %scan3A_200 = arith.constant 0 : i32
        %scan3A_201 = arith.constant 2048 : i32
        %scan3A_202 = arith.addi %scan3A_200, %scan3A_201 : i32
        %scan3A_203 = arith.constant 1 : i32
        %scan3A_204:2 = scf.for %scan3A_218 = %scan3A_200 to %scan3A_202 step %scan3A_203 iter_args(%scan3A_219 = %broadcast_in_dim3A_3, %scan3A_220 = %broadcast_in_dim3A_5) -> (vector<16xf32>, vector<16xi32>)  : i32 {
          %mul3A_221 = arith.constant 16 : i32
          %mul3A_222 = arith.muli %scan3A_218, %mul3A_221 : i32
          %get3A = arith.index_cast %mul3A_222 : i32 to index
          %get3A_223 = tpu.vector_load %arg5[%get3A] {strides = array<i32>} : memref<32768xf32, #tpu.memory_space<vmem>>, vector<16xf32>,
          %sub3A_224 = vector.broadcast %reduce_max3A_138 : f32 to vector<16xf32>
          %sub3A_225 = arith.subf %get3A_223, %sub3A_224 : vector<16xf32>
          %gt3A_226 = vector.broadcast %scan3A_198#0 : f32 to vector<16xf32>
          %gt3A_227 = arith.cmpf ogt, %sub3A_225, %gt3A_226 : vector<16xf32>
          %jit3A = arith.constant 0.000000e+00 : f32
          %broadcast_in_dim3A_228 = vector.broadcast %jit3A : f32 to vector<16xf32>
          %select_n3A = arith.select %gt3A_227, %sub3A_225, %broadcast_in_dim3A_228 : vector<16xi1>, vector<16xf32>
          %add3A_229 = arith.addf %scan3A_219, %select_n3A : vector<16xf32>
          %convert_element_type3A_230 = arith.extui %gt3A_227 : vector<16xi1> to vector<16xi32>
          %add3A_231 = arith.addi %scan3A_220, %convert_element_type3A_230 : vector<16xi32>
          scf.yield %add3A_229, %add3A_231 : vector<16xf32>, vector<16xi32>
        }
        %scan3A_205 = arith.constant 2048 : i32
        %reduce_sum3A = arith.constant true
        %reduce_sum3A_206 = vector.broadcast %reduce_sum3A : i1 to vector<16xi1>
        %reduce_sum3A_207 = tpu.scan <sum>, %scan3A_204#0 masked %reduce_sum3A_206 : vector<16xf32>, vector<16xi1> -> vector<16xf32>
        %reduce_sum3A_208 = vector.extract %reduce_sum3A_207[15] : f32 from vector<16xf32>
        %sub3A_209 = arith.constant 1.000000e+00 : f32
        %sub3A_210 = arith.subf %reduce_sum3A_208, %sub3A_209 : f32
        %broadcast_in_dim3A_211 = vector.broadcast %sub3A_210 : f32 to vector<16xf32>
        %reduce_sum3A_212 = arith.constant true
        %reduce_sum3A_213 = vector.broadcast %reduce_sum3A_212 : i1 to vector<16xi1>
        %reduce_sum3A_214 = tpu.scan <sum>, %scan3A_204#1 masked %reduce_sum3A_213 : vector<16xi32>, vector<16xi1> -> vector<16xi32>
        %reduce_sum3A_215 = vector.extract %reduce_sum3A_214[15] : i32 from vector<16xi32>
        %convert_element_type3A_216 = arith.sitofp %reduce_sum3A_215 : i32 to f32
        %broadcast_in_dim3A_217 = vector.broadcast %convert_element_type3A_216 : f32 to vector<16xf32>
        %div3A = arith.divf %broadcast_in_dim3A_211, %broadcast_in_dim3A_217 : vector<16xf32>
        scf.yield %div3A : vector<16xf32>
      }
      %gt3A_172 = arith.constant 0 : i32
      %gt3A_173 = arith.cmpi sgt, %add3A_111, %gt3A_172 : i32
      %convert_element_type3A_174 = arith.extui %gt3A_173 : i1 to i32
      %cond3A_175 = arith.constant 0 : i32
      %cond3A_176 = arith.cmpi ne, %convert_element_type3A_174, %cond3A_175 : i32
      scf.if %cond3A_176 {
        %sub3A_192 = arith.constant 1 : i32
        %sub3A_193 = arith.subi %add3A_112, %sub3A_192 : i32
        %dma_wait3A_194 = arith.constant 0 : i32
        %dma_wait3A_195 = tpu.memref_slice %arg6[%dma_wait3A_194] : memref<32784xf32, #tpu.memory_space<vmem>> -> memref<32768xf32, #tpu.memory_space<vmem>>
        %dma_wait3A_196 = arith.constant 0 : i32
        %dma_wait3A_197 = tpu.memref_slice %arg3[%sub3A_193, %dma_wait3A_196] : memref<1024x32768xf32, #tpu.memory_space<hbm>> -> memref<1x32768xf32, #tpu.memory_space<hbm>>
        %dma_wait3A_198 = tpu.memref_squeeze %dma_wait3A_197 : memref<1x32768xf32, #tpu.memory_space<hbm>> -> memref<32768xf32, #tpu.memory_space<hbm>>
        %dma_wait3A_199 = arith.constant 0 : i32
        %dma_wait3A_200 = tpu.memref_slice %arg3[%sub3A_193, %dma_wait3A_199] : memref<1024x32768xf32, #tpu.memory_space<hbm>> -> memref<1x32768xf32, #tpu.memory_space<hbm>>
        %dma_wait3A_201 = tpu.memref_squeeze %dma_wait3A_200 : memref<1x32768xf32, #tpu.memory_space<hbm>> -> memref<32768xf32, #tpu.memory_space<hbm>>
        %dma_wait3A_202 = arith.constant 0 : i32
        %dma_wait3A_203 = tpu.memref_slice %arg6[%dma_wait3A_202] : memref<32784xf32, #tpu.memory_space<vmem>> -> memref<32768xf32, #tpu.memory_space<vmem>>
        tpu.wait_dma2 semaphore(%arg14 : memref<!tpu.dma_semaphore, #tpu.memory_space<semaphore_mem>>) src(%dma_wait3A_203 : memref<32768xf32, #tpu.memory_space<vmem>>) dst(%dma_wait3A_201 : memref<32768xf32, #tpu.memory_space<hbm>>)
        %ge3A = arith.constant 0 : i32
        %ge3A_204 = arith.cmpi sge, %cond3A_99, %ge3A : i32
        %convert_element_type3A_205 = arith.extui %ge3A_204 : i1 to i32
        %cond3A_206 = arith.constant 0 : i32
        %cond3A_207 = arith.constant 0 : i32
        %cond3A_208 = arith.cmpi ne, %convert_element_type3A_205, %cond3A_207 : i32
        %cond3A_209 = scf.if %cond3A_208 -> (i32) {
          %while3A = arith.constant 0 : i32
          %while3A_210 = arith.constant 0 : i32
          %while3A_211 = arith.subi %cond3A_99, %while3A_210 : i32
          %while3A_212 = arith.addi %while3A_210, %while3A_211 : i32
          %while3A_213 = arith.constant 1 : i32
          %while3A_214 = arith.divsi %while3A_211, %while3A_213 : i32
          %while3A_215 = arith.muli %while3A_214, %while3A_213 : i32
          %while3A_216 = arith.addi %while3A_210, %while3A_215 : i32
          %while3A_217 = arith.constant 1 : i32
          scf.for %while3A_220 = %while3A_210 to %while3A_216 step %while3A_217  : i32 {
            %mul3A_221 = arith.constant 16 : i32
            %mul3A_222 = arith.muli %while3A_220, %mul3A_221 : i32
            %get3A = arith.index_cast %mul3A_222 : i32 to index
            %get3A_223 = tpu.vector_load %arg10[%get3A] {strides = array<i32>} : memref<2064xi32, #tpu.memory_space<vmem>>, vector<16xi32>,
            tpu.vector_store_idx %arg6[%get3A_223], %broadcast_in_dim3A_3 : memref<32784xf32, #tpu.memory_space<vmem>>[vector<16xi32>], vector<16xf32>,
          }
          %while3A_218 = arith.constant 1 : i32
          scf.for %while3A_220 = %while3A_216 to %while3A_212 step %while3A_218  : i32 {
            %mul3A_221 = arith.constant 16 : i32
            %mul3A_222 = arith.muli %while3A_220, %mul3A_221 : i32
            %get3A = arith.index_cast %mul3A_222 : i32 to index
            %get3A_223 = tpu.vector_load %arg10[%get3A] {strides = array<i32>} : memref<2064xi32, #tpu.memory_space<vmem>>, vector<16xi32>,
            tpu.vector_store_idx %arg6[%get3A_223], %broadcast_in_dim3A_3 : memref<32784xf32, #tpu.memory_space<vmem>>[vector<16xi32>], vector<16xf32>,
          }
          %cond3A_219 = arith.constant 0 : i32
          scf.yield %cond3A_219 : i32
        } else {
          %scan3A_210 = arith.constant 0 : i32
          %scan3A_211 = arith.constant 0 : i32
          %scan3A_212 = arith.constant 2048 : i32
          %scan3A_213 = arith.addi %scan3A_211, %scan3A_212 : i32
          %scan3A_214 = arith.constant 1 : i32
          scf.for %scan3A_217 = %scan3A_211 to %scan3A_213 step %scan3A_214  : i32 {
            %mul3A_218 = arith.constant 16 : i32
            %mul3A_219 = arith.muli %scan3A_217, %mul3A_218 : i32
            %swap3A = arith.index_cast %mul3A_219 : i32 to index
            %swap3A_220 = tpu.vector_load %arg6[%swap3A] {strides = array<i32>} : memref<32784xf32, #tpu.memory_space<vmem>>, vector<16xf32>,
            tpu.vector_store %arg6[%swap3A], %broadcast_in_dim3A_3 {strides = array<i32>} : memref<32784xf32, #tpu.memory_space<vmem>>, vector<16xf32>,
          }
          %scan3A_215 = arith.constant 2048 : i32
          %cond3A_216 = arith.constant 0 : i32
          scf.yield %cond3A_216 : i32
        }
      } else {
      }
      %convert_element_type3A_177 = arith.extui %le3A_163 : i1 to i32
      %cond3A_178 = arith.constant 0 : i32
      %cond3A_179 = arith.constant 0 : i32
      %cond3A_180 = arith.cmpi ne, %convert_element_type3A_177, %cond3A_179 : i32
      %cond3A_181 = scf.if %cond3A_180 -> (i32) {
        %while3A = arith.constant 0 : i32
        %while3A_192 = arith.constant 0 : i32
        %while3A_193 = arith.subi %shift_right_arithmetic3A_167, %while3A_192 : i32
        %while3A_194 = arith.addi %while3A_192, %while3A_193 : i32
        %while3A_195 = arith.constant 1 : i32
        %while3A_196 = arith.divsi %while3A_193, %while3A_195 : i32
        %while3A_197 = arith.muli %while3A_196, %while3A_195 : i32
        %while3A_198 = arith.addi %while3A_192, %while3A_197 : i32
        %while3A_199 = arith.constant 1 : i32
        scf.for %while3A_201 = %while3A_192 to %while3A_198 step %while3A_199  : i32 {
          %mul3A_202 = arith.constant 16 : i32
          %mul3A_203 = arith.muli %while3A_201, %mul3A_202 : i32
          %get3A = arith.index_cast %mul3A_203 : i32 to index
          %get3A_204 = tpu.vector_load %arg9[%get3A] {strides = array<i32>} : memref<2064xf32, #tpu.memory_space<vmem>>, vector<16xf32>,
          %mul3A_205 = arith.constant 16 : i32
          %mul3A_206 = arith.muli %while3A_201, %mul3A_205 : i32
          %get3A_207 = arith.index_cast %mul3A_206 : i32 to index
          %get3A_208 = tpu.vector_load %arg11[%get3A_207] {strides = array<i32>} : memref<2064xi32, #tpu.memory_space<vmem>>, vector<16xi32>,
          %sub3A_209 = arith.subf %get3A_204, %cond3A_171 : vector<16xf32>
          %max3A = arith.constant 0.000000e+00 : f32
          %max3A_210 = vector.broadcast %max3A : f32 to vector<16xf32>
          %max3A_211 = arith.maximumf %sub3A_209, %max3A_210 : vector<16xf32>
          tpu.vector_store_idx %arg6[%get3A_208], %max3A_211 : memref<32784xf32, #tpu.memory_space<vmem>>[vector<16xi32>], vector<16xf32>,
        }
        %while3A_200 = arith.constant 1 : i32
        scf.for %while3A_201 = %while3A_198 to %while3A_194 step %while3A_200  : i32 {
          %mul3A_202 = arith.constant 16 : i32
          %mul3A_203 = arith.muli %while3A_201, %mul3A_202 : i32
          %get3A = arith.index_cast %mul3A_203 : i32 to index
          %get3A_204 = tpu.vector_load %arg9[%get3A] {strides = array<i32>} : memref<2064xf32, #tpu.memory_space<vmem>>, vector<16xf32>,
          %mul3A_205 = arith.constant 16 : i32
          %mul3A_206 = arith.muli %while3A_201, %mul3A_205 : i32
          %get3A_207 = arith.index_cast %mul3A_206 : i32 to index
          %get3A_208 = tpu.vector_load %arg11[%get3A_207] {strides = array<i32>} : memref<2064xi32, #tpu.memory_space<vmem>>, vector<16xi32>,
          %sub3A_209 = arith.subf %get3A_204, %cond3A_171 : vector<16xf32>
          %max3A = arith.constant 0.000000e+00 : f32
          %max3A_210 = vector.broadcast %max3A : f32 to vector<16xf32>
          %max3A_211 = arith.maximumf %sub3A_209, %max3A_210 : vector<16xf32>
          tpu.vector_store_idx %arg6[%get3A_208], %max3A_211 : memref<32784xf32, #tpu.memory_space<vmem>>[vector<16xi32>], vector<16xf32>,
        }
        scf.yield %shift_right_arithmetic3A_167 : i32
      } else {
        %broadcast_in_dim3A_192 = vector.broadcast %reduce_max3A_138 : f32 to vector<16xf32>
        %add3A_193 = arith.addf %broadcast_in_dim3A_192, %cond3A_171 : vector<16xf32>
        %scan3A_194 = arith.constant 0 : i32
        %scan3A_195 = arith.constant 0 : i32
        %scan3A_196 = arith.constant 2048 : i32
        %scan3A_197 = arith.addi %scan3A_195, %scan3A_196 : i32
        %scan3A_198 = arith.constant 1 : i32
        scf.for %scan3A_201 = %scan3A_195 to %scan3A_197 step %scan3A_198  : i32 {
          %mul3A_202 = arith.constant 16 : i32
          %mul3A_203 = arith.muli %scan3A_201, %mul3A_202 : i32
          %get3A = arith.index_cast %mul3A_203 : i32 to index
          %get3A_204 = tpu.vector_load %arg5[%get3A] {strides = array<i32>} : memref<32768xf32, #tpu.memory_space<vmem>>, vector<16xf32>,
          %sub3A_205 = arith.subf %get3A_204, %add3A_193 : vector<16xf32>
          %max3A = arith.constant 0.000000e+00 : f32
          %max3A_206 = vector.broadcast %max3A : f32 to vector<16xf32>
          %max3A_207 = arith.maximumf %sub3A_205, %max3A_206 : vector<16xf32>
          %mul3A_208 = arith.constant 16 : i32
          %mul3A_209 = arith.muli %scan3A_201, %mul3A_208 : i32
          %swap3A = arith.index_cast %mul3A_209 : i32 to index
          %swap3A_210 = tpu.vector_load %arg6[%swap3A] {strides = array<i32>} : memref<32784xf32, #tpu.memory_space<vmem>>, vector<16xf32>,
          tpu.vector_store %arg6[%swap3A], %max3A_207 {strides = array<i32>} : memref<32784xf32, #tpu.memory_space<vmem>>, vector<16xf32>,
        }
        %scan3A_199 = arith.constant 2048 : i32
        %cond3A_200 = arith.constant -1 : i32
        scf.yield %cond3A_200 : i32
      }
      %dma_start3A_182 = arith.constant 0 : i32
      %dma_start3A_183 = tpu.memref_slice %arg6[%dma_start3A_182] : memref<32784xf32, #tpu.memory_space<vmem>> -> memref<32768xf32, #tpu.memory_space<vmem>>
      %dma_start3A_184 = arith.constant 0 : i32
      %dma_start3A_185 = tpu.memref_slice %arg3[%add3A_112, %dma_start3A_184] : memref<1024x32768xf32, #tpu.memory_space<hbm>> -> memref<1x32768xf32, #tpu.memory_space<hbm>>
      %dma_start3A_186 = tpu.memref_squeeze %dma_start3A_185 : memref<1x32768xf32, #tpu.memory_space<hbm>> -> memref<32768xf32, #tpu.memory_space<hbm>>
      %dma_start3A_187 = arith.constant 0 : i32
      %dma_start3A_188 = tpu.memref_slice %arg3[%add3A_112, %dma_start3A_187] : memref<1024x32768xf32, #tpu.memory_space<hbm>> -> memref<1x32768xf32, #tpu.memory_space<hbm>>
      %dma_start3A_189 = tpu.memref_squeeze %dma_start3A_188 : memref<1x32768xf32, #tpu.memory_space<hbm>> -> memref<32768xf32, #tpu.memory_space<hbm>>
      %dma_start3A_190 = arith.constant 0 : i32
      %dma_start3A_191 = tpu.memref_slice %arg6[%dma_start3A_190] : memref<32784xf32, #tpu.memory_space<vmem>> -> memref<32768xf32, #tpu.memory_space<vmem>>
      tpu.enqueue_dma source(%dma_start3A_191 : memref<32768xf32, #tpu.memory_space<vmem>>) target(%dma_start3A_189 : memref<32768xf32, #tpu.memory_space<hbm>>) target_semaphore(%arg14 : memref<!tpu.dma_semaphore, #tpu.memory_space<semaphore_mem>>)
      scf.yield %cond3A_181 : i32
    }
    %scan3A_22 = arith.constant 16 : i32
    %add3A_23 = arith.constant 32 : i32
    %add3A_24 = arith.addi %mul3A_2, %add3A_23 : i32
    %sub3A = arith.constant 1 : i32
    %sub3A_25 = arith.subi %add3A_24, %sub3A : i32
    %dma_wait3A = arith.constant 0 : i32
    %dma_wait3A_26 = tpu.memref_slice %arg6[%dma_wait3A] : memref<32784xf32, #tpu.memory_space<vmem>> -> memref<32768xf32, #tpu.memory_space<vmem>>
    %dma_wait3A_27 = arith.constant 0 : i32
    %dma_wait3A_28 = tpu.memref_slice %arg3[%sub3A_25, %dma_wait3A_27] : memref<1024x32768xf32, #tpu.memory_space<hbm>> -> memref<1x32768xf32, #tpu.memory_space<hbm>>
    %dma_wait3A_29 = tpu.memref_squeeze %dma_wait3A_28 : memref<1x32768xf32, #tpu.memory_space<hbm>> -> memref<32768xf32, #tpu.memory_space<hbm>>
    %dma_wait3A_30 = arith.constant 0 : i32
    %dma_wait3A_31 = tpu.memref_slice %arg3[%sub3A_25, %dma_wait3A_30] : memref<1024x32768xf32, #tpu.memory_space<hbm>> -> memref<1x32768xf32, #tpu.memory_space<hbm>>
    %dma_wait3A_32 = tpu.memref_squeeze %dma_wait3A_31 : memref<1x32768xf32, #tpu.memory_space<hbm>> -> memref<32768xf32, #tpu.memory_space<hbm>>
    %dma_wait3A_33 = arith.constant 0 : i32
    %dma_wait3A_34 = tpu.memref_slice %arg6[%dma_wait3A_33] : memref<32784xf32, #tpu.memory_space<vmem>> -> memref<32768xf32, #tpu.memory_space<vmem>>
    tpu.wait_dma2 semaphore(%arg14 : memref<!tpu.dma_semaphore, #tpu.memory_space<semaphore_mem>>) src(%dma_wait3A_34 : memref<32768xf32, #tpu.memory_space<vmem>>) dst(%dma_wait3A_32 : memref<32768xf32, #tpu.memory_space<hbm>>)
    return
  }
}

</mosaic_0001>

<sc_bundles>
// kernel: kernel.3.cloned.1.call-start
scs
__scs_entry_jumppad:
0x0: {  	(pc) =	sbr.rel $0x88, $3  }
0x1: {  	(tag) =	ssettag $0x0;
	lr =	simm.s32 $0x1  }
0x2: {  	[smem:$0x3FA0] =	sst lr;
	_ =	strace $0xD0000000  }
0x3: {  	_ = 	snop  }
0x4: {  	_ = 	snop  }
0x5: {  	_ = 	snop  }
0x6: {  	_ = 	snop  }
0x7: {  	_ = 	snop  }
__scs_overlays_trampoline_lowered:
0x8: {  	[smem:$0x3FAF] =	sst s0  }
0x9: {  	[smem:$0x3FB0] =	sst s1  }
0xa: {  	[smem:$0x3FB1] =	sst s2  }
0xb: {  	[smem:$0x3FB2] =	sst s3  }
0xc: {  	[smem:$0x3FB3] =	sst s4  }
0xd: {  	[smem:$0x3FB4] =	sst s5  }
0xe: {  	[smem:$0x3FB5] =	sst s6  }
0xf: {  	[smem:$0x3FB6] =	sst s7  }
0x10: {  	[smem:$0x3FB7] =	sst s8  }
0x11: {  	[smem:$0x3FB8] =	sst s9;
	s0 =	simm.s32 @!p0 $0x0  }
0x12: {  	s1 =	sld [smem:$0x3F9E];
	s0 =	simm.s32 @p0 $0x1  }
0x13: {  	[smem:$0x3FB9] =	sst s0;
	s0 =	simm.s32 @!p1 $0x0  }
0x14: {  	s2 =	sld [smem:$0x3F9D];
	s0 =	simm.s32 @p1 $0x1  }
0x15: {  	[smem:$0x3FBA] =	sst s0;
	s0 =	simm.s32 @!p2 $0x0  }
0x16: {  	s3 =	sld [smem:$0x3FDB];
	s0 =	simm.s32 @p2 $0x1  }
0x17: {  	s4 =	simm.s32 $0x1BF5;
	[smem:$0x3FBC] =	sst s0  }
0x18: {  	s0 =	sld [smem:$0x3F9F];
	_ =	swait.ge [sflag:s4], $0x0  }
0x19: {  	s7 =	sld [smem:$0x3FA0]  }
0x1a: {  	s8 =	sadd.s32 $0xFFFFE003, lr  }
0x1b: {  	s9 =	sadd.s32 $0xFFFFFEF7, lr;
	s5 =	simm.s32 $0xFFFFFFFF;
	p2 =	slt.u32 s8, $0xFFFFF086  }
0x1c: {  	p1 =	slt.u32 s9, $0xF7A;
	s5 =	simm.s32 @!p2 $0x0  }
0x1d: {  	s5 =	simm.s32 @p1 $0x1;
	p0 =	seq.s32 s7, s2  }
0x1e: {  	s7 =	smul.u32 @!p0 $0xF7A, s2;
	p2 =	seq.s32 @!p0 s5, $0x0  }
0x1f: {  	s9 =	smul.u32 $0xF7A, s1;
	s8 =	simm.s32 @!p0 $0x1BF5;
	p2 =	por !p2, p0  }
0x20: {  	[sflag:s8] =	ssyncset.s32 @!p0 $0xFFFFF086;
	s6 =	sadd.s32 @!p0 s3, s7;
	s7 =	simm.s32 @!p0 $0x108  }
0x21: {  	s3 =	sadd.s32 s3, s9;
	s6 =	sadd.s32 @!p0 $0x88, s6;
	s7 =	simm.s32 @p2 $0x1082  }
0x22: {  	[simem:s7], [sflag:s8] =	dma.local @!p0 [hbm:s6], $0xF7A  }
0x23: {  	s9 =	sor.u32 $0xD0000000, s2;
	s6 =	simm.s32 $0x108;
	_ =	swait.ge @!p0 [sflag:s8], $0x0  }
0x24: {  	s3 =	sadd.s32 $0x88, s3;
	s6 =	simm.s32 @!p1 $0x1082;
	[sflag:s4] =	ssyncset.s32 $0xFFFFF086  }
0x25: {  	[simem:s6], [sflag:s4] =	dma.local [hbm:s3], $0xF7A  }
0x26: {  	[smem:$0x3FA0] =	sst s1;
	(tag) =	ssettag s2;
	_ =	strace s9  }
0x27: {  	s1 =	sld [smem:$0x3FB0]  }
0x28: {  	s2 =	sld [smem:$0x3FB1]  }
0x29: {  	s4 =	sld [smem:$0x3FB3]  }
0x2a: {  	p0 =	seq.s32 s5, $0x0;
	s5 =	sld [smem:$0x3FB4]  }
0x2b: {  	s6 =	sld [smem:$0x3FB5]  }
0x2c: {  	s7 =	sld [smem:$0x3FB6]  }
0x2d: {  	s3 =	simm.s32 $0x108;
	s8 =	sld [smem:$0x3FB7]  }
0x2e: {  	s3 =	simm.s32 @!p0 $0x1082;
	s9 =	sld [smem:$0x3FB8]  }
0x2f: {  	lr =	sadd.s32 s0, s3;
	s0 =	sld [smem:$0x3FAF]  }
0x30: {  	s3 =	sld [smem:$0x3FB2]  }
0x31: {  	[smem:$0x3FBB] =	sst s10  }
0x32: {  	s10 =	sld [smem:$0x3FB9];
	_ =	sdelay $0x3  }
0x33: {  	p0 =	seq.s32 s10, $0x1;
	s10 =	sld [smem:$0x3FBB];
	_ =	sdelay $0x3  }
0x34: {  	[smem:$0x3FBB] =	sst s10  }
0x35: {  	s10 =	sld [smem:$0x3FBA];
	_ =	sdelay $0x3  }
0x36: {  	p1 =	seq.s32 s10, $0x1;
	s10 =	sld [smem:$0x3FBB];
	_ =	sdelay $0x3  }
0x37: {  	[smem:$0x3FBB] =	sst s10  }
0x38: {  	s10 =	sld [smem:$0x3FBC]  }
0x39: {  	_ = 	snop;
	(pc) =	sbr.ind lr, $3  }
0x3a: {  	_ = 	snop  }
0x3b: {  	_ = 	snop  }
0x3c: {  	p2 =	seq.s32 s10, $0x1;
	s10 =	sld [smem:$0x3FBB]  }
0x3d: {  	_ =	shalt  }
0x3e: {  	_ =	shalt  }
0x3f: {  	_ =	shalt  }
0x40: {  	_ =	shalt  }
0x41: {  	_ =	shalt  }
0x42: {  	_ =	shalt  }
0x43: {  	_ =	shalt  }
0x44: {  	_ =	shalt  }
0x45: {  	_ =	shalt  }
0x46: {  	_ =	shalt  }
0x47: {  	_ =	shalt  }
0x48: {  	_ =	shalt  }
0x49: {  	_ =	shalt  }
0x4a: {  	_ =	shalt  }
0x4b: {  	_ =	shalt  }
0x4c: {  	_ =	shalt  }
0x4d: {  	_ =	shalt  }
0x4e: {  	_ =	shalt  }
0x4f: {  	_ =	shalt  }
0x50: {  	_ =	shalt  }
0x51: {  	_ =	shalt  }
0x52: {  	_ =	shalt  }
0x53: {  	_ =	shalt  }
0x54: {  	_ =	shalt  }
0x55: {  	_ =	shalt  }
0x56: {  	_ =	shalt  }
0x57: {  	_ =	shalt  }
0x58: {  	_ =	shalt  }
0x59: {  	_ =	shalt  }
0x5a: {  	_ =	shalt  }
0x5b: {  	_ =	shalt  }
0x5c: {  	_ =	shalt  }
0x5d: {  	_ =	shalt  }
0x5e: {  	_ =	shalt  }
0x5f: {  	_ =	shalt  }
0x60: {  	_ =	shalt  }
0x61: {  	_ =	shalt  }
0x62: {  	_ =	shalt  }
0x63: {  	_ =	shalt  }
0x64: {  	_ =	shalt  }
0x65: {  	_ =	shalt  }
0x66: {  	_ =	shalt  }
0x67: {  	_ =	shalt  }
0x68: {  	_ =	shalt  }
0x69: {  	_ =	shalt  }
0x6a: {  	_ =	shalt  }
0x6b: {  	_ =	shalt  }
0x6c: {  	_ =	shalt  }
0x6d: {  	_ =	shalt  }
0x6e: {  	_ =	shalt  }
0x6f: {  	_ =	shalt  }
0x70: {  	_ =	shalt  }
0x71: {  	_ =	shalt  }
0x72: {  	_ =	shalt  }
0x73: {  	_ =	shalt  }
0x74: {  	_ =	shalt  }
0x75: {  	_ =	shalt  }
0x76: {  	_ =	shalt  }
0x77: {  	_ =	shalt  }
0x78: {  	_ =	shalt  }
0x79: {  	_ =	shalt  }
0x7a: {  	_ =	shalt  }
0x7b: {  	_ =	shalt  }
0x7c: {  	_ =	shalt  }
0x7d: {  	_ =	shalt  }
0x7e: {  	_ =	shalt  }
0x7f: {  	_ =	shalt  }
0x80: {  	_ =	shalt  }
0x81: {  	_ =	shalt  }
0x82: {  	_ =	shalt  }
0x83: {  	_ =	shalt  }
0x84: {  	_ =	shalt  }
0x85: {  	_ =	shalt  }
0x86: {  	_ =	shalt  }
0x87: {  	_ =	shalt  }
.Lfunc_end0:
.L_simem_size_0:
called_computation_lowered:
.L_overlay_start_0:
0x88: {  	s2 =	sld [smem:$0x3FD9]  }
0x89: {  	s3 =	sld [smem:$0x3FFE];
	_ =	sdelay $0x1  }
0x8a: {  	s1 =	srdreg.scid  }
0x8b: {  	s0 =	sand.u32 $0x1, s1  }
0x8c: {  	s18 =	sshll.u32 s0, $0xA;
	s2 =	sadd.s32 s3, s2  }
0x8d: {  	s2 =	sadd.s32 s2, s18  }
0x8e: {  	[smem:$0x3FC7] =	sst s2  }
0x8f: {  	_ = 	snop  }
0x90: {  	s2 =	sld [smem:$0x3FC9]  }
0x91: {  	s19 =	sld [smem:$0x3FD0];
	(tm) =	ssettm $0x1  }
0x92: {  	s4 =	sld [smem:$0x3FFB];
	_ =	sdelay $0x3  }
0x93: {  	_ =	strace s4  }
0x94: {  	s4 =	sld [smem:$0x3FFC];
	_ =	sdelay $0x3  }
0x95: {  	_ =	strace s4  }
0x96: {  	s4 =	sld [smem:$0x3FFD];
	_ =	sdelay $0x3  }
0x97: {  	_ =	strace s4  }
0x98: {  	_ =	strace $0x8FFFFFFF  }
0x99: {  	s20 =	sld [smem:$0x3FDB];
	_ =	sdelay $0x1  }
0x9a: {  	s5 =	simm.s32 $_scs_section_size  }
0x9b: {  	s6 =	simm.s32 $_size__tile_overlayer_lowered;
	s7 =	simm.s32 $_tile_overlayer_lowered  }
0x9c: {  	s23 =	simm.s32 $0x1BFF;
	s22 =	sshll.u32 s7, $0x1;
	s4 =	sadd.s32 s5, s20  }
0x9d: {  	s8 =	simm.s32 $0x0;
	s21 =	sshll.u32 s6, $0x1;
	s6 =	sadd.s32 s22, s4  }
0x9e: {  	[timem:s8], [sflag:s23] =	dma.local [hbm:s6], s21  }
0x9f: {  	_ =	swait.ge [sflag:s23], s21  }
0xa0: {  	s5 =	ssub.s32 $0x0, s21;
	[sflag:s23] =	ssyncset.done $0x0  }
0xa1: {  	[sflag:s23] =	ssyncadd.s32 s5;
	_ =	sdelay $0x1  }
0xa2: {  	s24 =	simm.s32 $0x1B8B  }
0xa3: {  	_ =	swait.ge [sflag:s24], $0x1  }
0xa4: {  	[sflag:s24] =	ssyncset.done $0x0  }
0xa5: {  	s25 =	simm.s32 $0x1B8E;
	[sflag:s24] =	ssyncadd.s32 $0xFFFFFFFF  }
0xa6: {  	s26 =	simm.s32 $execute0_lowered;
	[smem:$0x3FD2] =	sst s25  }
0xa7: {  	s5 =	sshll.u32 s26, $0x1;
	_ =	strace $0x80000046;
	[dreg:$0x1] =	wrdreg $0xFFFFFFFF  }
0xa8: {  	s28 =	simm.s32 $_size_execute0_lowered;
	s4 =	sadd.s32 s4, s5;
	[dreg:$0x0] =	wrdreg $0x0  }
0xa9: {  	s5 =	sshll.u32 s28, $0x1;
	[dreg:$0x2] =	wrdreg s4  }
0xaa: {  	[dreg:$0x3] =	wrdreg s5  }
0xab: {  	[dreg:$0x4] =	wrdreg $0xC0  }
0xac: {  	_ =	task [dreg:s8], $0x5FFFF  }
0xad: {  	[dreg:$0x1] =	wrdreg $0xFFFFFFFF  }
0xae: {  	[dreg:$0x0] =	wrdreg $0x60  }
0xaf: {  	[dreg:$0x2] =	wrdreg s2  }
0xb0: {  	[dreg:$0x3] =	wrdreg s19  }
0xb1: {  	[dreg:$0x4] =	wrdreg $0x9  }
0xb2: {  	_ =	task.clear_ibuf [dreg:s8], $0x5FFFF;
	_ =	strace $0x90000046  }
0xb3: {  	s29 =	simm.s32 $0x9;
	_ =	strace $0x80000048  }
0xb4: {  	_ =	swait.ge [sflag:s29], $0x1  }
0xb5: {  	[sflag:s29] =	ssyncadd.s32 $0xFFFFFFFF  }
0xb6: {  	_ =	strace $0x90000048  }
0xb7: {  	_ =	sfence  }
0xb8: {  	s30 =	sld [smem:$0x0];
	_ =	sdelay $0x2  }
0xb9: {  	s31 =	sshll.u32 s1, $0xD;
	s1 =	sshrl.u32 s1, $0x2  }
0xba: {  	s3 =	sand.u32 $0x4000, s31;
	s1 =	sadd.s32 s1, s30  }
0xbb: {  	s0 =	sor.u32 s3, s0;
	s1 =	sshll.u32 s1, $0x11  }
0xbc: {  	s0 =	sor.u32 s1, s0  }
0xbd: {  	s0 =	sadd.s32 $0x8F2B, s0  }
0xbe: {  	[sflag:s0] =	ssyncadd.remote.s32 $0x1  }
0xbf: {  	_ =	sfence.sel $0xFFFF  }
0xc0: {  	[dreg:$0x0] =	wrdreg $0xFFFFFFFF;
	(pc) =	sbr.abs _section_cstart, $3  }
0xc1: {  	[dreg:$0x1] =	wrdreg $0xFFFFFFFF  }
0xc2: {  	_ =	task.clear_ibuf [dreg:s8], $0x2FFFF;
	_ =	strace $0x9FFFFFFF  }
0xc3: {  	(tm) =	ssettm $0x7FFFFFFF  }
tec
execute0_lowered:
.L_overlay_start_1:
0x0: {  	(tag) =	ssettag $0x1  }
0x1: {  	s2 =	rddreg [dreg:$0x0]  }
0x2: {  	s3 =	rddreg [dreg:$0x1]  }
0x3: {  	s0 =	srdreg.scid;
	s4 =	stileid.u32;
	s8 =	simm.s32 $0x80  }
0x4: {  	s9 =	simm.s32 $0x400;
	s10 =	simm.s32 $0x1;
	s11 =	simm.s32 $0x8000  }
0x5: {  	s12 =	simm.s32 $0x18080;
	s13 =	simm.s32 $0x1A080;
	s14 =	simm.s32 $0x1A280  }
0x6: {  	s15 =	simm.s32 $0x1AB00;
	s16 =	simm.s32 $0x10000;
	s17 =	simm.s32 $0x2  }
0x7: {  	s18 =	simm.s32 $0x1B380;
	s0 =	sand.u32 $0x1, s0;
	s5 =	sshll.u32 s4, $0x6  }
.Ltmp0:
0x8: {  	s1 =	ssub.s32 $0x2, s0;
	s0 =	sshll.u32 s0, $0x5;
	(pc) =	sbr.rel .LBB2_1-.Ltmp0, $4  }
0x9: {  	s19 =	simm.s32 $0x3;
	s20 =	simm.s32 $0x0;
	s5 =	sor.u32 s0, s5  }
0xa: {  	s4 =	simm.s32 $0x0;
	s6 =	sshrl.u32 s1, $0x1;
	s31 =	sshll.u32 s5, $0xC  }
0xb: {  	v0 =	vlaneseq.u32;
	v1 =	vimm.f32 $0.0e+00;
	v3 =	vimm.f32 $-2.000000000e+00;
	[smem:$0x7FF] =	sst s4;
	s30 =	ssub.s32 s1, s6;
	s1 =	sadd.s32 s2, s31  }
0xc: {  	v5 =	vimm.s32 $0x0;
	v2 =	vmul.u32 $0x200, v0;
	v4 =	vor.u32 $0x8000, v0;
	_ =	strace $0x80000047;
	s7 =	smax.u32 s30, $0x1;
	[dreg:$0x3] =	wrdreg s1  }
.LBB2_90:
0xd: {  	s4 =	sadd.s32 $0x1, s4  }
0xe: {  	p0 =	sne.s32 s4, s7  }
.Ltmp1:
0xf: {  	_ = 	snop;
	(pc) =	sbr.rel @!p0 .LBB2_91-.Ltmp1, $4  }
0x10: {  	_ = 	snop  }
0x11: {  	_ =	swait.ge [sflag:s19], $0x8000  }
0x12: {  	[sflag:s19] =	ssyncset.done $0x0  }
0x13: {  	[sflag:s19] =	ssyncadd.s32 $0xFFFF8000  }
.LBB2_1:
0x14: {  	s0 =	simm.s32 $0x40;
	s1 =	simm.s32 $0x0  }
.LBB2_2:
0x15: {  	p0 =	sne.s32 s0, $0x20000;
	[tilespmem:s1+$0x10000] =	vst v1;
	s1 =	smov.u32 s0;
	s0 =	sadd.s32 $0x40, s0  }
.Ltmp2:
0x16: {  	(pc) =	sbr.rel @p0 .LBB2_2-.Ltmp2, $2  }
0x17: {  	_ =	sdelay $0x2  }
0x18: {  	s1 =	sshra.s32 s1, $0x2  }
.Ltmp3:
0x19: {  	(pc) =	sbr.rel .LBB2_4-.Ltmp3, $3  }
0x1a: {  	_ =	sdelay $0x1  }
0x1b: {  	[tilespmem:s1+$0x10000] =	vst v1;
	s0 =	rddreg [dreg:$0x3];
	s23 =	simm.s32 $0x0;
	s21 =	simm.s32 $0x0  }
0x1c: {  	[tilespmem:s20], [sflag:$0x1] =	stream.strided.gather [hbm4b:s0+s8], $0x8000, s9, s8, $0x38;
	[tilespmem:$0x1BC00] =	vst v63  }
.LBB2_85:
0x1d: {  	_ = 	snop  }
0x1e: {  	v7 =	vsub.f32 v8, v7;
	_ =	sdelay $0x1  }
0x1f: {  	v7 =	vmax.f32 v7, $0.0e+00  }
0x20: {  	[tilespmem:v6+s16+$0x0] =	vst.idx.msk $0xffff, v7  }
.LBB2_89:
0x21: {  	s21 =	sadd.s32 $0x1, s21  }
0x22: {  	p1 =	sne.s32 s21, $0x10  }
.Ltmp4:
0x23: {  	_ = 	snop;
	(pc) =	sbr.rel @!p1 .LBB2_90-.Ltmp4, $4  }
0x24: {  	_ = 	snop  }
0x25: {  	s0 =	sadd.s32 s3, s25  }
0x26: {  	s23 =	simm.s32 @!p0 $0xFFFFFFFF;
	s0 =	sadd.s32 s24, s0  }
0x27: {  	[hbm4b:s0+s8] =	stream.strided.scatter [tilespmem:s16], [sflag:$0x3], $0x8000, s9, s8, $0x38;
	[tilespmem:$0x1BC00] =	vst v63  }
.LBB2_4:
0x28: {  	s24 =	sshll.u32 s21, $0x1  }
0x29: {  	s1 =	sshll.u32 s21, $0x5;
	s0 =	sadd.s32 s5, s24  }
0x2a: {  	s26 =	sand.u32 $0x60, s1;
	s0 =	sshll.u32 s0, $0xC  }
0x2b: {  	_ =	swait.ge [sflag:s10], $0x8000;
	s22 =	sadd.s32 s26, s2;
	s25 =	sand.u32 $0x3F8000, s0  }
0x2c: {  	[sflag:s10] =	ssyncset.done $0x0;
	s0 =	sadd.s32 s25, s22  }
0x2d: {  	s30 =	simm.s32 $0x20;
	[sflag:s10] =	ssyncadd.s32 $0xFFFF8000;
	s0 =	sadd.s32 $0x10, s0  }
0x2e: {  	[tilespmem:s11], [sflag:$0x2] =	stream.strided.gather [hbm4b:s0+s8], $0x8000, s9, s8, $0x38;
	[tilespmem:$0x1BC00] =	vst v63  }
0x2f: {  	v6 =	vld [tilespmem:s30+$0xFFFFFFE0]  }
0x30: {  	v12 =	vld [tilespmem:s30+$0xFFFFFFF0]  }
0x31: {  	v10 =	vld [tilespmem:s30+$0x0]  }
0x32: {  	s31 =	simm.s32 $0x40;
	v9 =	vld [tilespmem:s30+$0x10]  }
0x33: {  	s6 =	sor.u32 $0x50, s31;
	v11 =	vld [tilespmem:s30+$0x20]  }
0x34: {  	s22 =	sor.u32 $0x60, s31;
	v13 =	vld [tilespmem:s6+$0x0]  }
0x35: {  	v14 =	vld [tilespmem:s22+$0x0];
	s30 =	sor.u32 $0x70, s31;
	v12 =	vmax.f32 v6, v12  }
0x36: {  	v15 =	vor.u32 s20, v2;
	s0 =	simm.s32 $0xA0;
	s31 =	simm.s32 $0x1;
	v16 =	vld [tilespmem:s30+$0x0];
	v12 =	vmax.f32 v12, v10  }
0x37: {  	v7 =	vld [tilespmem:s0+$0x10];
	v12 =	vmax.f32 v12, v9;
	v9 =	vor.u32 s31, v2  }
0x38: {  	v8 =	vld [tilespmem:s0+$0x0]  }
0x39: {  	v6 =	vld [tilespmem:s0+$0x20];
	v11 =	vmax.f32 v11, v13  }
0x3a: {  	s28 =	simm.s32 $0xC0;
	v13 =	vimm.f32 $-Inf;
	v10 =	vld [tilespmem:s0+$0xFFFFFFE0];
	v14 =	vmax.f32 v11, v14  }
0x3b: {  	s29 =	simm.s32 $0x4;
	s1 =	sor.u32 $0x50, s28;
	s22 =	simm.s32 $0x2;
	v11 =	vld [tilespmem:s0+$0xFFFFFFF0];
	[tilespmem:v15+s12+$0x0] =	vst.idx.msk $0xffff, v12;
	v13 =	vmax.f32 v13, v12;
	v12 =	vmax.f32 v14, v16  }
.LBB2_5:
0x3c: {  	p0 =	slt.u32 s29, $0x1FE;
	v14 =	vld [tilespmem:s1+$0x0];
	s1 =	sor.u32 $0x60, s28;
	[tilespmem:v9+s12+$0x0] =	vst.idx.msk $0xffff, v12;
	v12 =	vmax.f32 v13, v12;
	v13 =	vmov v7  }
0x3d: {  	v15 =	vld [tilespmem:s1+$0x0];
	s1 =	sor.u32 $0x70, s28;
	v16 =	vmov v8  }
0x3e: {  	v17 =	vor.u32 s22, v2;
	s0 =	sadd.s32 $0x80, s0;
	v18 =	vld [tilespmem:s1+$0x0];
	s1 =	sadd.s32 $0x1, s22;
	s22 =	smov.u32 s29  }
.Ltmp5:
0x3f: {  	v7 =	vld [tilespmem:s0+$0x10];
	v9 =	vor.u32 s1, v2;
	(pc) =	sbr.rel @p0 .LBB2_5-.Ltmp5, $4  }
0x40: {  	v8 =	vld [tilespmem:s0+$0x0];
	v10 =	vmax.f32 v10, v11  }
0x41: {  	v11 =	vmax.f32 v10, v16;
	v14 =	vmax.f32 v6, v14;
	v6 =	vld [tilespmem:s0+$0x20]  }
0x42: {  	s28 =	sadd.s32 $0x80, s28;
	v10 =	vld [tilespmem:s0+$0xFFFFFFE0];
	v13 =	vmax.f32 v11, v13;
	v14 =	vmax.f32 v14, v15  }
0x43: {  	s29 =	sadd.s32 $0x2, s29;
	s1 =	sor.u32 $0x50, s28;
	v11 =	vld [tilespmem:s0+$0xFFFFFFF0];
	[tilespmem:v17+s12+$0x0] =	vst.idx.msk $0xffff, v13;
	v13 =	vmax.f32 v12, v13;
	v12 =	vmax.f32 v14, v18  }
0x44: {  	v14 =	vld [tilespmem:s1+$0x0];
	s0 =	sor.u32 $0x60, s28  }
0x45: {  	s1 =	sor.u32 $0x70, s28;
	v15 =	vld [tilespmem:s0+$0x0]  }
0x46: {  	v16 =	vld [tilespmem:s1+$0x0];
	_ =	sdelay $0x1  }
0x47: {  	v10 =	vmax.f32 v10, v11  }
0x48: {  	v8 =	vmax.f32 v10, v8;
	v6 =	vmax.f32 v6, v14  }
0x49: {  	v10 =	vmax.f32 v13, v12;
	v7 =	vmax.f32 v8, v7;
	v6 =	vmax.f32 v6, v15  }
0x4a: {  	v8 =	vmax.f32 v10, v7;
	v10 =	vmax.f32 v6, v16  }
0x4b: {  	v6 =	vmax.f32 v8, v10  }
0x4c: {  	(xrf0) =	vmax.scan.msk.f32 $0xffff, v6;
	_ =	sdelay $0x5  }
0x4d: {  	v6, _, _ =	vpop (xrf0)  }
0x4e: {  	(v2sf) =	vpush v6, $0xF;
	_ =	sdelay $0x8  }
0x4f: {  	s6 =	sadd.s32 $0x1, s22  }
0x50: {  	v11 =	vor.u32 s6, v2  }
0x51: {  	v8 =	vor.u32 s22, v2;
	_ =	sdelay $0x2  }
0x52: {  	[tilespmem:v9+s12+$0x0] =	vst.idx.msk $0xffff, v12  }
0x53: {  	[tilespmem:v11+s12+$0x0] =	vst.idx.msk $0xffff, v10;
	s22 =	spop (v2sf)  }
0x54: {  	s1 =	simm.s32 $0x18080;
	[tilespmem:v8+s12+$0x0] =	vst.idx.msk $0xffff, v7;
	s0 =	sadd.f32 $-1.000000000e+00, s22;
	s22 =	simm.s32 $0x0  }
0x55: {  	v8 =	vld [tilespmem:s1+$0x0];
	s6 =	sand.u32 $0x1F0, s22  }
0x56: {  	v9 =	vld [tilespmem:s6+$0x18280]  }
0x57: {  	v10 =	vld [tilespmem:s6+$0x18480]  }
0x58: {  	v11 =	vld [tilespmem:s6+$0x18680]  }
0x59: {  	v12 =	vld [tilespmem:s6+$0x18880]  }
0x5a: {  	v13 =	vld [tilespmem:s6+$0x18A80]  }
0x5b: {  	v14 =	vld [tilespmem:s6+$0x18C80]  }
0x5c: {  	v15 =	vld [tilespmem:s6+$0x18E80]  }
0x5d: {  	v61 =	vld [tilespmem:s6+$0x19080]  }
0x5e: {  	v17 =	vld [tilespmem:s6+$0x19280]  }
0x5f: {  	v18 =	vld [tilespmem:s6+$0x19480]  }
0x60: {  	v19 =	vld [tilespmem:s6+$0x19680]  }
0x61: {  	v20 =	vld [tilespmem:s6+$0x19880];
	v8 =	vmax.f32 v8, v9  }
0x62: {  	v21 =	vld [tilespmem:s6+$0x19A80];
	v8 =	vmax.f32 v8, v10  }
0x63: {  	v9 =	vld [tilespmem:s6+$0x19C80];
	v8 =	vmax.f32 v8, v11  }
0x64: {  	s28 =	simm.s32 $0x10;
	s1 =	simm.s32 $0x18090;
	v10 =	vld [tilespmem:s6+$0x19E80];
	v8 =	vmax.f32 v8, v12  }
0x65: {  	s6 =	sand.u32 $0x1F0, s28;
	v11 =	vld [tilespmem:s1+$0x0];
	v8 =	vmax.f32 v8, v13  }
0x66: {  	v12 =	vld [tilespmem:s6+$0x18280];
	v8 =	vmax.f32 v8, v14  }
0x67: {  	v13 =	vld [tilespmem:s6+$0x18480];
	v8 =	vmax.f32 v8, v15  }
0x68: {  	v14 =	vld [tilespmem:s6+$0x18680];
	v8 =	vmax.f32 v8, v61  }
0x69: {  	v15 =	vld [tilespmem:s6+$0x18880];
	v8 =	vmax.f32 v8, v17  }
0x6a: {  	v62 =	vld [tilespmem:s6+$0x18A80];
	v8 =	vmax.f32 v8, v18  }
0x6b: {  	v11 =	vmax.f32 v11, v12;
	v12 =	vld [tilespmem:s6+$0x18C80];
	v8 =	vmax.f32 v8, v19  }
0x6c: {  	v11 =	vmax.f32 v11, v13;
	v13 =	vld [tilespmem:s6+$0x18E80];
	v8 =	vmax.f32 v8, v20  }
0x6d: {  	v11 =	vmax.f32 v11, v14;
	v8 =	vmax.f32 v8, v21  }
0x6e: {  	v11 =	vmax.f32 v11, v15;
	v8 =	vmax.f32 v8, v9  }
0x6f: {  	v7 =	vmov s0;
	v11 =	vmax.f32 v11, v62;
	v10 =	vmax.f32 v8, v10  }
0x70: {  	v9 =	vmax.f32 v11, v12;
	vm0 =	vgt.f32 v10, v7  }
0x71: {  	v9 =	vmax.f32 v9, v13;
	v13 =	vmpcnt.ones.xlane vm0;
	_ =	sdelay $0x1  }
0x72: {  	v14 =	vld [tilespmem:s6+$0x19080];
	(v2sf) =	vpush v13, $0x0  }
0x73: {  	v15 =	vld [tilespmem:s6+$0x19280]  }
0x74: {  	v63 =	vld [tilespmem:s6+$0x19480]  }
0x75: {  	v12 =	vld [tilespmem:s6+$0x19680]  }
0x76: {  	v8 =	vld [tilespmem:s6+$0x19880]  }
0x77: {  	v10 =	vmax.f32 v9, v14;
	v9 =	vld [tilespmem:s6+$0x19A80]  }
0x78: {  	v11 =	vmax.f32 v10, v15;
	v10 =	vld [tilespmem:s6+$0x19C80]  }
0x79: {  	s29 =	simm.s32 $0x20;
	s31 =	simm.s32 $0x180A0;
	v14 =	vor.u32 s22, v0;
	v15 =	vmax.f32 v11, v63;
	v11 =	vld [tilespmem:s6+$0x19E80]  }
0x7a: {  	s30 =	sand.u32 $0x1F0, s29;
	s0 =	simm.s32 $0x30;
	[tilespmem:s22+$0x1A080] =	vst.msk vm0, v14;
	v13 =	vld [tilespmem:s31+$0x0];
	v12 =	vmax.f32 v15, v12  }
.LBB2_7:
0x7b: {  	p0 =	seq.s32 s0, $0x1F0;
	v14 =	vld [tilespmem:s30+$0x18280];
	v8 =	vmax.f32 v12, v8  }
0x7c: {  	v12 =	vld [tilespmem:s30+$0x18480];
	v8 =	vmax.f32 v8, v9  }
0x7d: {  	v9 =	vld [tilespmem:s30+$0x18680];
	v8 =	vmax.f32 v8, v10  }
0x7e: {  	v10 =	vld [tilespmem:s30+$0x18880];
	v8 =	vmax.f32 v8, v11  }
0x7f: {  	v11 =	vld [tilespmem:s30+$0x18A80];
	vm0 =	vgt.f32 v8, v7  }
0x80: {  	v8 =	vmax.f32 v13, v14;
	v13 =	vld [tilespmem:s30+$0x18C80];
	v14 =	vmpcnt.ones.xlane vm0  }
0x81: {  	v8 =	vmax.f32 v8, v12;
	v12 =	vld [tilespmem:s30+$0x18E80];
	s1 =	spop (v2sf)  }
0x82: {  	v15 =	vor.u32 s28, v0;
	s28 =	smov.u32 s29;
	s29 =	smov.u32 s0;
	v8 =	vmax.f32 v8, v9;
	v9 =	vld [tilespmem:s30+$0x19080];
	(v2sf) =	vpush v14, $0x0;
	s22 =	sadd.s32 s22, s1  }
0x83: {  	v8 =	vmax.f32 v8, v10;
	v10 =	vld [tilespmem:s30+$0x19280];
	[tilespmem:s22+$0x1A080] =	vst.msk vm0, v15  }
0x84: {  	v8 =	vmax.f32 v8, v11;
	v11 =	vld [tilespmem:s30+$0x19480]  }
0x85: {  	v8 =	vmax.f32 v8, v13;
	v14 =	vld [tilespmem:s30+$0x19680]  }
.Ltmp6:
0x86: {  	v12 =	vmax.f32 v8, v12;
	v8 =	vld [tilespmem:s30+$0x19880];
	(pc) =	sbr.rel @!p0 .LBB2_7-.Ltmp6, $4  }
0x87: {  	v12 =	vmax.f32 v12, v9;
	v9 =	vld [tilespmem:s30+$0x19A80]  }
0x88: {  	v12 =	vmax.f32 v12, v10;
	v10 =	vld [tilespmem:s30+$0x19C80]  }
0x89: {  	s31 =	sadd.s32 $0x10, s31;
	v12 =	vmax.f32 v12, v11;
	v11 =	vld [tilespmem:s30+$0x19E80]  }
0x8a: {  	s0 =	sadd.s32 $0x10, s0;
	s30 =	sand.u32 $0x1F0, s29;
	v13 =	vld [tilespmem:s31+$0x0];
	v12 =	vmax.f32 v12, v14  }
0x8b: {  	v14 =	vld [tilespmem:s30+$0x18280]  }
0x8c: {  	v15 =	vld [tilespmem:s30+$0x18480]  }
0x8d: {  	v16 =	vld [tilespmem:s30+$0x18680]  }
0x8e: {  	v17 =	vld [tilespmem:s30+$0x18880]  }
0x8f: {  	v18 =	vld [tilespmem:s30+$0x18A80]  }
0x90: {  	v51 =	vld [tilespmem:s30+$0x18C80];
	v13 =	vmax.f32 v13, v14  }
0x91: {  	v52 =	vld [tilespmem:s30+$0x18E80];
	v13 =	vmax.f32 v13, v15  }
0x92: {  	v53 =	vld [tilespmem:s30+$0x19080];
	v13 =	vmax.f32 v13, v16  }
0x93: {  	v54 =	vld [tilespmem:s30+$0x19280];
	v13 =	vmax.f32 v13, v17  }
0x94: {  	v55 =	vld [tilespmem:s30+$0x19480];
	v13 =	vmax.f32 v13, v18  }
0x95: {  	v56 =	vld [tilespmem:s30+$0x19680];
	v13 =	vmax.f32 v13, v51  }
0x96: {  	v57 =	vld [tilespmem:s30+$0x19880];
	v13 =	vmax.f32 v13, v52  }
0x97: {  	v58 =	vld [tilespmem:s30+$0x19A80];
	v13 =	vmax.f32 v13, v53  }
0x98: {  	v59 =	vld [tilespmem:s30+$0x19C80];
	v13 =	vmax.f32 v13, v54  }
0x99: {  	v60 =	vld [tilespmem:s30+$0x19E80];
	v13 =	vmax.f32 v13, v55  }
0x9a: {  	v8 =	vmax.f32 v12, v8;
	v61 =	vmax.f32 v13, v56  }
0x9b: {  	v8 =	vmax.f32 v8, v9;
	v62 =	vmax.f32 v61, v57  }
0x9c: {  	v8 =	vmax.f32 v8, v10;
	v9 =	vmax.f32 v62, v58  }
0x9d: {  	v8 =	vmax.f32 v8, v11;
	v9 =	vmax.f32 v9, v59  }
0x9e: {  	vm0 =	vgt.f32 v8, v7;
	v8 =	vmax.f32 v9, v60  }
0x9f: {  	v63 =	vmpcnt.ones.xlane vm0;
	vm1 =	vgt.f32 v8, v7  }
0xa0: {  	v8 =	vmpcnt.ones.xlane vm1  }
0xa1: {  	(v2sf) =	vpush v63, $0x0  }
0xa2: {  	(v2sf) =	vpush v8, $0x0;
	_ =	sdelay $0xc  }
0xa3: {  	s0 =	spop (v2sf)  }
0xa4: {  	s0 =	sadd.s32 s22, s0;
	s1 =	spop (v2sf);
	v8 =	vor.u32 s28, v0  }
0xa5: {  	[tilespmem:s0+$0x1A080] =	vst.msk vm0, v8;
	s0 =	sadd.s32 s0, s1;
	s1 =	spop (v2sf)  }
0xa6: {  	s6 =	sadd.s32 s0, s1  }
0xa7: {  	p0 =	slt.s32 s6, $0x1  }
.Ltmp7:
0xa8: {  	_ = 	snop;
	(pc) =	sbr.rel @p0 .LBB2_12-.Ltmp7, $3  }
0xa9: {  	_ =	sdelay $0x1  }
0xaa: {  	v6 =	vbroadcast v6, $0xF;
	v8 =	vor.u32 s29, v0  }
0xab: {  	s28 =	simm.s32 $0x0;
	s29 =	simm.s32 $0x0;
	[tilespmem:s0+$0x1A080] =	vst.msk vm1, v8  }
0xac: {  	s22 =	sadd.s32 s0, s1;
	s0 =	simm.s32 $0x0  }
0xad: {  	v8 =	vmov s0;
	_ =	sdelay $0x4  }
0xae: {  	v8 =	vld.idx.msk [tilespmem:v8+s13+$0x0], $0xffff;
	_ =	sdelay $0x4  }
0xaf: {  	(v2sf) =	vpush v8, $0x0;
	_ =	sdelay $0xe  }
0xb0: {  	s31 =	spop (v2sf)  }
0xb1: {  	s29 =	sshll.u32 s31, $0x6  }
0xb2: {  	v8 =	vld [tilespmem:s29+$0x0];
	_ =	sdelay $0x4  }
0xb3: {  	vm0 =	vgt.f32 v8, v7  }
0xb4: {  	v9 =	vmpcnt.ones.xlane vm0;
	_ =	sdelay $0x1  }
0xb5: {  	(v2sf) =	vpush v9, $0x0;
	_ =	sdelay $0x2  }
0xb6: {  	p0 =	por $0x1, $0x1;
	v8 =	vsub.f32 v8, v6  }
0xb7: {  	s0 =	simm.s32 @!p0 $0x800  }
0xb8: {  	[tilespmem:s0+$0x1A280] =	vst.msk vm0, v8;
	v8 =	vor.u32 s29, v0  }
0xb9: {  	[tilespmem:s0+$0x1AB00] =	vst.msk vm0, v8  }
0xba: {  	v8 =	vld [tilespmem:s29+$0x10];
	_ =	sdelay $0x4  }
0xbb: {  	vm15 =	vgt.f32 v8, v7  }
0xbc: {  	v10 =	vmpcnt.ones.xlane vm15;
	_ =	sdelay $0x1  }
0xbd: {  	s6 =	spop (v2sf);
	(v2sf) =	vpush v10, $0x0;
	_ =	sdelay $0x4  }
0xbe: {  	s0 =	sadd.s32 $0x0, s6  }
0xbf: {  	p0 =	slt.s32 s0, $0x800;
	s1 =	smov.u32 s0  }
0xc0: {  	s1 =	simm.s32 @!p0 $0x800;
	p0 =	seq.s32 s22, $0x1  }
.Ltmp8:
0xc1: {  	v9 =	vsub.f32 v8, v6;
	(pc) =	sbr.rel @p0 .LBB2_11-.Ltmp8, $4  }
0xc2: {  	s6 =	sor.u32 $0x10, s29  }
0xc3: {  	v8 =	vor.u32 s6, v0;
	[tilespmem:s1+$0x1A280] =	vst.msk vm15, v9  }
0xc4: {  	s31 =	sor.u32 $0x30, s29;
	[tilespmem:s1+$0x1AB00] =	vst.msk vm15, v8  }
0xc5: {  	s30 =	simm.s32 $0x1;
	v8 =	vor.u32 s31, v0;
	v9 =	vld [tilespmem:s29+$0x20]  }
.LBB2_10:
0xc6: {  	v10 =	vmov s30;
	_ =	sdelay $0x1  }
0xc7: {  	s30 =	sadd.s32 $0x1, s30;
	s1 =	spop (v2sf)  }
0xc8: {  	p0 =	seq.s32 s22, s30;
	s0 =	sadd.s32 s0, s1  }
0xc9: {  	p1 =	slt.s32 s0, $0x800;
	v11 =	vsub.f32 v9, v6;
	s6 =	smov.u32 s0  }
0xca: {  	s1 =	sor.u32 $0x20, s29;
	vm0 =	vgt.f32 v9, v7;
	v10 =	vld.idx.msk [tilespmem:v10+s13+$0x0], $0xffff;
	s6 =	simm.s32 @!p1 $0x800  }
0xcb: {  	v9 =	vor.u32 s1, v0;
	[tilespmem:s6+$0x1A280] =	vst.msk vm0, v11  }
0xcc: {  	[tilespmem:s6+$0x1AB00] =	vst.msk vm0, v9  }
0xcd: {  	v9 =	vld [tilespmem:s29+$0x30];
	_ =	sdelay $0x2  }
0xce: {  	(v2sf) =	vpush v10, $0x0;
	_ =	sdelay $0x1  }
0xcf: {  	v10 =	vmpcnt.ones.xlane vm0;
	vm0 =	vgt.f32 v9, v7;
	v9 =	vsub.f32 v9, v6  }
0xd0: {  	v11 =	vmpcnt.ones.xlane vm0  }
0xd1: {  	(v2sf) =	vpush v10, $0x0  }
0xd2: {  	(v2sf) =	vpush v11, $0x0;
	_ =	sdelay $0x9  }
0xd3: {  	s1 =	spop (v2sf)  }
0xd4: {  	s29 =	sshll.u32 s1, $0x6  }
0xd5: {  	v10 =	vld [tilespmem:s29+$0x0];
	s1 =	sor.u32 $0x30, s29  }
0xd6: {  	v11 =	vor.u32 s1, v0  }
0xd7: {  	s1 =	spop (v2sf)  }
0xd8: {  	s0 =	sadd.s32 s0, s1;
	s1 =	spop (v2sf)  }
0xd9: {  	p1 =	slt.s32 s0, $0x800;
	s1 =	sadd.s32 s0, s1  }
0xda: {  	vm1 =	vgt.f32 v10, v7;
	p2 =	slt.s32 s1, $0x800;
	v10 =	vsub.f32 v10, v6;
	s0 =	simm.s32 @!p1 $0x800;
	s6 =	smov.u32 s1  }
0xdb: {  	s6 =	simm.s32 @!p2 $0x800;
	v12 =	vmpcnt.ones.xlane vm1;
	[tilespmem:s0+$0x1A280] =	vst.msk vm0, v9  }
0xdc: {  	v9 =	vor.u32 s29, v0;
	[tilespmem:s6+$0x1A280] =	vst.msk vm1, v10  }
0xdd: {  	[tilespmem:s6+$0x1AB00] =	vst.msk vm1, v9;
	(v2sf) =	vpush v12, $0x0  }
0xde: {  	v9 =	vld [tilespmem:s29+$0x10];
	[tilespmem:s0+$0x1AB00] =	vst.msk vm0, v8;
	v8 =	vmov v11;
	_ =	sdelay $0x4  }
0xdf: {  	vm0 =	vgt.f32 v9, v7  }
0xe0: {  	v10 =	vmpcnt.ones.xlane vm0;
	_ =	sdelay $0x1  }
0xe1: {  	(v2sf) =	vpush v10, $0x0;
	_ =	sdelay $0x5  }
0xe2: {  	s0 =	spop (v2sf)  }
0xe3: {  	s0 =	sadd.s32 s1, s0  }
.Ltmp9:
0xe4: {  	v9 =	vsub.f32 v9, v6;
	p1 =	slt.s32 s0, $0x800;
	s6 =	smov.u32 s0;
	(pc) =	sbr.rel @!p0 .LBB2_10-.Ltmp9, $4  }
0xe5: {  	s1 =	sor.u32 $0x10, s29;
	s6 =	simm.s32 @!p1 $0x800  }
0xe6: {  	[tilespmem:s6+$0x1A280] =	vst.msk vm0, v9;
	v9 =	vor.u32 s1, v0  }
0xe7: {  	[tilespmem:s6+$0x1AB00] =	vst.msk vm0, v9  }
0xe8: {  	v9 =	vld [tilespmem:s29+$0x20]  }
.LBB2_11:
0xe9: {  	_ =	sdelay $0x1  }
0xea: {  	s1 =	spop (v2sf)  }
0xeb: {  	s0 =	sadd.s32 s0, s1  }
0xec: {  	p0 =	slt.s32 s0, $0x800;
	v10 =	vsub.f32 v9, v6;
	s1 =	smov.u32 s0  }
0xed: {  	s6 =	sor.u32 $0x20, s29;
	vm0 =	vgt.f32 v9, v7;
	s1 =	simm.s32 @!p0 $0x800  }
0xee: {  	v62 =	vor.u32 s6, v0;
	[tilespmem:s1+$0x1A280] =	vst.msk vm0, v10  }
0xef: {  	[tilespmem:s1+$0x1AB00] =	vst.msk vm0, v62  }
0xf0: {  	v9 =	vld [tilespmem:s29+$0x30];
	_ =	sdelay $0x3  }
0xf1: {  	v63 =	vmpcnt.ones.xlane vm0  }
0xf2: {  	vm15 =	vgt.f32 v9, v7  }
0xf3: {  	(v2sf) =	vpush v63, $0x0;
	v7 =	vmpcnt.ones.xlane vm15;
	_ =	sdelay $0x1  }
0xf4: {  	(v2sf) =	vpush v7, $0x0;
	_ =	sdelay $0xc  }
0xf5: {  	s30 =	spop (v2sf)  }
0xf6: {  	s0 =	sadd.s32 s0, s30  }
0xf7: {  	v7 =	vsub.f32 v9, v6;
	p0 =	slt.s32 s0, $0x800;
	s31 =	spop (v2sf)  }
0xf8: {  	s29 =	sadd.s32 s0, s31;
	s0 =	simm.s32 @!p0 $0x800  }
0xf9: {  	[tilespmem:s0+$0x1A280] =	vst.msk vm15, v7  }
0xfa: {  	[tilespmem:s0+$0x1AB00] =	vst.msk vm15, v8  }
.LBB2_12:
0xfb: {  	p0 =	slt.s32 s29, $0x800;
	s0 =	smov.u32 s29  }
0xfc: {  	s0 =	simm.s32 @!p0 $0x800  }
0xfd: {  	v7 =	vadd.s32 s0, v0  }
0xfe: {  	p0 =	slt.s32 s29, $0x801  }
.Ltmp10:
0xff: {  	_ = 	snop;
	(pc) =	sbr.rel @p0 .LBB2_13-.Ltmp10, $3  }
0x100: {  	_ =	sdelay $0x1  }
0x101: {  	s0 =	sadd.s32 $0xF, s0;
	[tilespmem:v7+s14+$0x0] =	vst.idx.msk $0xffff, v3  }
0x102: {  	s30 =	simm.f32 $-1.000000000e+00;
	s31 =	simm.f32 $0.0e+00;
	s22 =	sshra.s32 s0, $0x4;
	[tilespmem:v7+s15+$0x0] =	vst.idx.msk $0xffff, v4  }
.LBB2_24:
0x103: {  	s6 =	simm.s32 $0x0  }
0x104: {  	s0 =	sadd.f32 s31, s30;
	v9 =	vld [tilespmem:s6+$0x0];
	_ =	sdelay $0x1  }
0x105: {  	s0 =	smul.f32 $5.000000000e-01, s0;
	_ =	sdelay $0x1  }
0x106: {  	v7 =	vimm.f32 $0.0e+00;
	s1 =	simm.s32 $0x40;
	v8 =	vmov s0  }
.LBB2_25:
0x107: {  	s6 =	sshra.s32 s1, $0x2;
	p1 =	sne.s32 s1, $0x1FFC0;
	s1 =	sadd.s32 $0x40, s1;
	v10 =	vsub.f32 v9, v6  }
.Ltmp11:
0x108: {  	v9 =	vld [tilespmem:s6+$0x0];
	(pc) =	sbr.rel @p1 .LBB2_25-.Ltmp11, $3  }
0x109: {  	v10 =	vsub.f32 v10, v8;
	_ =	sdelay $0x1  }
0x10a: {  	v10 =	vmax.f32 v10, $0.0e+00  }
0x10b: {  	v7 =	vadd.f32 v10, v7  }
0x10c: {  	v9 =	vsub.f32 v9, v6;
	_ =	sdelay $0x1  }
0x10d: {  	v8 =	vsub.f32 v9, v8;
	_ =	sdelay $0x1  }
0x10e: {  	v8 =	vmax.f32 v8, $0.0e+00  }
0x10f: {  	v7 =	vadd.f32 v8, v7;
	_ =	sdelay $0x1  }
0x110: {  	(xrf2) =	vadd.scan.msk.f32 $0xffff, v7;
	_ =	sdelay $0x9  }
0x111: {  	v7, _, _ =	vpop (xrf2)  }
0x112: {  	(v2sf) =	vpush v7, $0xF;
	_ =	sdelay $0xe  }
0x113: {  	s1 =	spop (v2sf)  }
0x114: {  	s1 =	sadd.f32 $-1.000000000e+00, s1;
	_ =	sdelay $0x1  }
0x115: {  	p1 =	sge.f32 s1, $0.0e+00  }
0x116: {  	s28 =	sadd.s32 $0x1, s28  }
0x117: {  	s30 =	smov.u32 @p1 s0;
	s0 =	smov.u32 @p1 s31;
	p1 =	seq.s32 s28, $0x19  }
.Ltmp12:
0x118: {  	_ = 	snop;
	(pc) =	sbr.rel @!p1 .LBB2_24-.Ltmp12, $2  }
0x119: {  	_ =	sdelay $0x2  }
0x11a: {  	s31 =	smov.u32 s0  }
0x11b: {  	s1 =	simm.s32 $0x0  }
0x11c: {  	v10 =	vld [tilespmem:s1+$0x0];
	_ =	sdelay $0x2  }
0x11d: {  	v9 =	vmov s30;
	v7 =	vimm.f32 $0.0e+00;
	v8 =	vimm.s32 $0x0;
	s0 =	simm.s32 $0x40  }
.LBB2_28:
0x11e: {  	p1 =	sne.s32 s0, $0x1FFC0  }
.Ltmp13:
0x11f: {  	s1 =	sshra.s32 s0, $0x2;
	s0 =	sadd.s32 $0x40, s0;
	v11 =	vsub.f32 v10, v6;
	(pc) =	sbr.rel @p1 .LBB2_28-.Ltmp13, $4  }
0x120: {  	v10 =	vld [tilespmem:s1+$0x0]  }
0x121: {  	vm0 =	vgt.f32 v11, v9  }
0x122: {  	v11 =	vnsel vm0, $0x0, v11;
	v12 =	vsel vm0, $0x1, v5  }
0x123: {  	v7 =	vadd.f32 v11, v7;
	v8 =	vadd.s32 v12, v8  }
0x124: {  	_ = 	snop  }
.Ltmp14:
0x125: {  	v10 =	vsub.f32 v10, v6;
	(pc) =	sbr.rel .LBB2_30-.Ltmp14, $4  }
0x126: {  	_ = 	snop  }
0x127: {  	vm0 =	vgt.f32 v10, v9  }
0x128: {  	v9 =	vnsel vm0, $0x0, v10;
	v10 =	vsel vm0, $0x1, v5  }
0x129: {  	v7 =	vadd.f32 v9, v7;
	v8 =	vadd.s32 v10, v8  }
.LBB2_14:
0x12a: {  	v7 =	vimm.f32 $0.0e+00  }
.LBB2_20:
0x12b: {  	(xrf2) =	vadd.scan.msk.f32 $0xffff, v7;
	_ =	sdelay $0x9  }
0x12c: {  	v7, _, _ =	vpop (xrf2)  }
0x12d: {  	(v2sf) =	vpush v7, $0xF;
	_ =	sdelay $0xe  }
0x12e: {  	s1 =	spop (v2sf)  }
0x12f: {  	s1 =	sadd.f32 $-1.000000000e+00, s1;
	_ =	sdelay $0x1  }
0x130: {  	p2 =	sge.f32 s1, $0.0e+00  }
0x131: {  	s28 =	sadd.s32 $0x1, s28  }
0x132: {  	s30 =	smov.u32 @p2 s0;
	s0 =	smov.u32 @p2 s31;
	p2 =	seq.s32 s28, $0x19  }
.Ltmp15:
0x133: {  	_ = 	snop;
	(pc) =	sbr.rel @p2 .LBB2_15-.Ltmp15, $2  }
0x134: {  	_ =	sdelay $0x2  }
0x135: {  	s31 =	smov.u32 s0  }
.LBB2_13:
0x136: {  	p1 =	slt.s32 s22, $0x1  }
.Ltmp16:
0x137: {  	_ = 	snop;
	(pc) =	sbr.rel @p1 .LBB2_14-.Ltmp16, $3  }
0x138: {  	_ = 	snop  }
0x139: {  	s0 =	sadd.f32 s31, s30;
	_ =	sdelay $0x1  }
0x13a: {  	s0 =	smul.f32 $5.000000000e-01, s0  }
0x13b: {  	s1 =	simm.s32 $0x1A280  }
0x13c: {  	p2 =	sne.s32 s22, $0x1;
	v9 =	vld [tilespmem:s1+$0x0]  }
.Ltmp17:
0x13d: {  	_ = 	snop;
	(pc) =	sbr.rel @!p2 .LBB2_19-.Ltmp17, $3  }
0x13e: {  	_ =	sdelay $0x1  }
0x13f: {  	v8 =	vmov s0  }
0x140: {  	v7 =	vimm.f32 $0.0e+00;
	s6 =	simm.s32 $0x1A290;
	s1 =	sadd.s32 $0xFFFFFFFF, s22;
	v9 =	vsub.f32 v9, v8  }
.LBB2_18:
0x141: {  	v10 =	vld [tilespmem:s6+$0x0];
	p2 =	sne.s32 s1, $0x1;
	s1 =	sadd.s32 $0xFFFFFFFF, s1  }
.Ltmp18:
0x142: {  	v9 =	vmax.f32 v9, $0.0e+00;
	(pc) =	sbr.rel @p2 .LBB2_18-.Ltmp18, $2  }
0x143: {  	v7 =	vadd.f32 v9, v7;
	_ =	sdelay $0x2  }
0x144: {  	s6 =	sadd.s32 $0x10, s6;
	v9 =	vsub.f32 v10, v8  }
.LBB2_19:
.Ltmp19:
0x145: {  	(pc) =	sbr.rel .LBB2_20-.Ltmp19, $3  }
0x146: {  	_ = 	snop  }
0x147: {  	v8 =	vmax.f32 v9, $0.0e+00  }
0x148: {  	v7 =	vadd.f32 v8, v7;
	_ =	sdelay $0x1  }
.LBB2_15:
.Ltmp20:
0x149: {  	(pc) =	sbr.rel @p1 .LBB2_16-.Ltmp20, $1  }
0x14a: {  	_ =	sdelay $0x3  }
0x14b: {  	s0 =	simm.s32 $0x1A280  }
0x14c: {  	p1 =	seq.s32 s22, $0x1;
	v10 =	vld [tilespmem:s0+$0x0]  }
.Ltmp21:
0x14d: {  	_ = 	snop;
	(pc) =	sbr.rel @p1 .LBB2_23-.Ltmp21, $3  }
0x14e: {  	_ =	sdelay $0x1  }
0x14f: {  	v9 =	vmov s30  }
0x150: {  	v7 =	vimm.f32 $0.0e+00;
	v8 =	vimm.s32 $0x0;
	s1 =	simm.s32 $0x1A290;
	s0 =	sadd.s32 $0xFFFFFFFF, s22;
	vm0 =	vgt.f32 v10, v9  }
.LBB2_22:
0x151: {  	p1 =	seq.s32 s0, $0x1;
	s0 =	sadd.s32 $0xFFFFFFFF, s0;
	v11 =	vnsel vm0, $0x0, v10;
	v10 =	vld [tilespmem:s1+$0x0];
	v12 =	vsel vm0, $0x1, v5  }
.Ltmp22:
0x152: {  	v7 =	vadd.f32 v11, v7;
	v8 =	vadd.s32 v12, v8;
	(pc) =	sbr.rel @!p1 .LBB2_22-.Ltmp22, $2  }
0x153: {  	_ =	sdelay $0x2  }
0x154: {  	s1 =	sadd.s32 $0x10, s1;
	vm0 =	vgt.f32 v10, v9  }
.LBB2_23:
.Ltmp23:
0x155: {  	(pc) =	sbr.rel .LBB2_30-.Ltmp23, $3  }
0x156: {  	_ =	sdelay $0x1  }
0x157: {  	v9 =	vnsel vm0, $0x0, v10;
	v10 =	vsel vm0, $0x1, v5  }
0x158: {  	v7 =	vadd.f32 v9, v7;
	v8 =	vadd.s32 v10, v8  }
.LBB2_16:
0x159: {  	v8 =	vimm.s32 $0x0;
	v7 =	vimm.f32 $0.0e+00  }
.LBB2_30:
0x15a: {  	_ = 	snop  }
0x15b: {  	(xrf2) =	vadd.scan.msk.f32 $0xffff, v7;
	_ =	sdelay $0x4  }
0x15c: {  	(xrf0) =	vadd.scan.msk.s32 $0xffff, v8;
	_ =	sdelay $0x4  }
0x15d: {  	v7, _, _ =	vpop (xrf2)  }
0x15e: {  	(v2sf) =	vpush v7, $0xF;
	v7, _, _ =	vpop (xrf0)  }
0x15f: {  	(v2sf) =	vpush v7, $0xF;
	_ =	sdelay $0xd  }
0x160: {  	s28 =	spop (v2sf)  }
0x161: {  	s0 =	spop (v2sf)  }
0x162: {  	s0 =	scvt.s32.f32 s0;
	_ =	sdelay $0x1  }
0x163: {  	v7 =	vmov s0  }
0x164: {  	(erf) = vrcp.f32 v7;
	_ =	sdelay $0x3  }
0x165: {  	p1 =	seq.s32 s21, $0x0  }
.Ltmp24:
0x166: {  	_ = 	snop;
	(pc) =	sbr.rel @p1 .LBB2_39-.Ltmp24, $2  }
0x167: {  	_ =	sdelay $0x2  }
0x168: {  	v7 =	vpop (erf)  }
0x169: {  	p1 =	slt.s32 s23, $0x0  }
.Ltmp25:
0x16a: {  	_ = 	snop;
	(pc) =	sbr.rel @p1 .LBB2_36-.Ltmp25, $4  }
0x16b: {  	_ = 	snop  }
0x16c: {  	_ =	swait.ge [sflag:s19], $0x8000  }
0x16d: {  	[sflag:s19] =	ssyncset.done $0x0  }
0x16e: {  	[sflag:s19] =	ssyncadd.s32 $0xFFFF8000  }
0x16f: {  	p1 =	seq.s32 s23, $0x0  }
.Ltmp26:
0x170: {  	_ = 	snop;
	(pc) =	sbr.rel @p1 .LBB2_39-.Ltmp26, $2  }
0x171: {  	_ =	sdelay $0x2  }
0x172: {  	s0 =	simm.s32 $0x1B380  }
0x173: {  	p1 =	seq.s32 s23, $0x1  }
.Ltmp27:
0x174: {  	_ = 	snop;
	(pc) =	sbr.rel @p1 .LBB2_35-.Ltmp27, $2  }
0x175: {  	_ =	sdelay $0x2  }
0x176: {  	v8 =	vld [tilespmem:s0+$0x0];
	s1 =	sadd.s32 $0xFFFFFFFF, s23  }
.LBB2_34:
0x177: {  	p1 =	seq.s32 s1, $0x1;
	_ =	sdelay $0x3  }
.Ltmp28:
0x178: {  	(pc) =	sbr.rel @!p1 .LBB2_34-.Ltmp28, $3  }
0x179: {  	_ =	sdelay $0x1  }
0x17a: {  	s0 =	sadd.s32 $0x10, s0;
	[tilespmem:v8+s16+$0x0] =	vst.idx.msk $0xffff, v1  }
0x17b: {  	s1 =	sadd.s32 $0xFFFFFFFF, s1;
	v8 =	vld [tilespmem:s0+$0x0]  }
.LBB2_35:
0x17c: {  	_ =	sdelay $0x3  }
.Ltmp29:
0x17d: {  	_ = 	snop;
	(pc) =	sbr.rel .LBB2_39-.Ltmp29, $2  }
0x17e: {  	_ =	sdelay $0x2  }
0x17f: {  	[tilespmem:v8+s16+$0x0] =	vst.idx.msk $0xffff, v1  }
.LBB2_36:
0x180: {  	s0 =	simm.s32 $0x40;
	s1 =	simm.s32 $0x0  }
.LBB2_37:
0x181: {  	p1 =	sne.s32 s0, $0x1FFC0;
	[tilespmem:s1+$0x10000] =	vst v1;
	s1 =	smov.u32 s0;
	s0 =	sadd.s32 $0x40, s0  }
.Ltmp30:
0x182: {  	(pc) =	sbr.rel @p1 .LBB2_37-.Ltmp30, $2  }
0x183: {  	_ =	sdelay $0x2  }
0x184: {  	s1 =	sshra.s32 s1, $0x2  }
0x185: {  	[tilespmem:s1+$0x10000] =	vst v1  }
.LBB2_39:
0x186: {  	p1 =	sgt.s32 s29, $0x800  }
.Ltmp31:
0x187: {  	_ = 	snop;
	(pc) =	sbr.rel @p1 .LBB2_44-.Ltmp31, $3  }
0x188: {  	_ = 	snop  }
0x189: {  	s0 =	sadd.f32 $-1.000000000e+00, s28;
	_ =	sdelay $0x1  }
0x18a: {  	v7 =	vmul.f32 s0, v7  }
0x18b: {  	p1 =	slt.s32 s22, $0x1  }
.Ltmp32:
0x18c: {  	_ = 	snop;
	(pc) =	sbr.rel @p1 .LBB2_47-.Ltmp32, $1  }
0x18d: {  	_ =	sdelay $0x3  }
0x18e: {  	p1 =	seq.s32 s22, $0x1  }
.Ltmp33:
0x18f: {  	_ = 	snop;
	(pc) =	sbr.rel @p1 .LBB2_43-.Ltmp33, $4  }
0x190: {  	_ = 	snop  }
0x191: {  	s0 =	simm.s32 $0x1AB00  }
0x192: {  	s23 =	simm.s32 $0x1A280;
	v6 =	vld [tilespmem:s0+$0x0]  }
0x193: {  	s28 =	sadd.s32 $0xFFFFFFFF, s22;
	v8 =	vld [tilespmem:s23+$0x0]  }
.LBB2_42:
0x194: {  	p1 =	seq.s32 s28, $0x1;
	_ =	sdelay $0x3  }
0x195: {  	v8 =	vsub.f32 v8, v7  }
.Ltmp34:
0x196: {  	(pc) =	sbr.rel @!p1 .LBB2_42-.Ltmp34, $4  }
0x197: {  	v8 =	vmax.f32 v8, $0.0e+00  }
0x198: {  	s0 =	sadd.s32 $0x10, s0;
	[tilespmem:v6+s16+$0x0] =	vst.idx.msk $0xffff, v8  }
0x199: {  	s23 =	sadd.s32 $0x10, s23;
	v6 =	vld [tilespmem:s0+$0x0]  }
0x19a: {  	s28 =	sadd.s32 $0xFFFFFFFF, s28;
	v8 =	vld [tilespmem:s23+$0x0]  }
.LBB2_43:
0x19b: {  	_ =	sdelay $0x2  }
.Ltmp35:
0x19c: {  	_ = 	snop;
	(pc) =	sbr.rel .LBB2_47-.Ltmp35, $3  }
0x19d: {  	v7 =	vsub.f32 v8, v7;
	_ =	sdelay $0x1  }
0x19e: {  	v7 =	vmax.f32 v7, $0.0e+00  }
0x19f: {  	[tilespmem:v6+s16+$0x0] =	vst.idx.msk $0xffff, v7  }
.LBB2_44:
0x1a0: {  	s0 =	simm.s32 $0x0  }
0x1a1: {  	s1 =	simm.s32 $0x40;
	v6 =	vadd.f32 v7, v6;
	v7 =	vld [tilespmem:s0+$0x0]  }
.LBB2_45:
0x1a2: {  	_ =	sdelay $0x1  }
0x1a3: {  	p1 =	sne.s32 s1, $0x1FFC0  }
.Ltmp36:
0x1a4: {  	_ = 	snop;
	(pc) =	sbr.rel @p1 .LBB2_45-.Ltmp36, $3  }
0x1a5: {  	v8 =	vsub.f32 v7, v6;
	_ =	sdelay $0x1  }
0x1a6: {  	s6 =	sshra.s32 s1, $0x2;
	v8 =	vmax.f32 v8, $0.0e+00  }
0x1a7: {  	s1 =	sadd.s32 $0x40, s1;
	v7 =	vld [tilespmem:s6+$0x0];
	[tilespmem:s0+$0x10000] =	vst v8;
	s0 =	smov.u32 s6  }
0x1a8: {  	_ =	sdelay $0x3  }
0x1a9: {  	v6 =	vsub.f32 v7, v6;
	_ =	sdelay $0x1  }
0x1aa: {  	v6 =	vmax.f32 v6, $0.0e+00  }
0x1ab: {  	[tilespmem:s0+$0x10000] =	vst v6  }
.LBB2_47:
0x1ac: {  	s0 =	sadd.s32 s3, s26  }
0x1ad: {  	s1 =	sor.u32 $0x1, s24;
	s0 =	sadd.s32 s25, s0  }
0x1ae: {  	[hbm4b:s0+s8] =	stream.strided.scatter [tilespmem:s16], [sflag:$0x3], $0x8000, s9, s8, $0x38;
	[tilespmem:$0x1BC00] =	vst v63  }
0x1af: {  	p1 =	seq.s32 s21, $0xF;
	s0 =	sor.u32 s5, s1  }
0x1b0: {  	s30 =	simm.s32 $0x8020;
	s6 =	sadd.s32 @!p1 $0x1, s0  }
0x1b1: {  	s24 =	simm.s32 @!p1 $0x400;
	s25 =	simm.s32 @!p1 $0x0;
	s23 =	sshll.u32 @!p1 s6, $0x4  }
0x1b2: {  	_ =	swait.ge [sflag:s17], $0x8000;
	s6 =	sshll.u32 @!p1 s6, $0xC;
	s23 =	sand.u32 @!p1 $0x60, s23  }
0x1b3: {  	[sflag:s17] =	ssyncset.done $0x0;
	s6 =	sand.u32 @!p1 $0xFFF8000, s6;
	s23 =	sadd.s32 @!p1 s2, s23  }
0x1b4: {  	[sflag:s17] =	ssyncadd.s32 $0xFFFF8000;
	s6 =	sadd.s32 @!p1 s6, s23;
	s23 =	simm.s32 @!p1 $0x80  }
0x1b5: {  	[tilespmem:s25], [sflag:$0x1] =	stream.strided.gather @!p1 [hbm4b:s6+s23], $0x8000, s24, s23, $0x38;
	[tilespmem:$0x1BC00] =	vst v63  }
0x1b6: {  	v6 =	vld [tilespmem:s30+$0xFFFFFFE0]  }
0x1b7: {  	v12 =	vld [tilespmem:s30+$0xFFFFFFF0]  }
0x1b8: {  	v10 =	vld [tilespmem:s30+$0x0]  }
0x1b9: {  	s31 =	simm.s32 $0x40;
	v9 =	vld [tilespmem:s30+$0x10]  }
0x1ba: {  	s24 =	sor.u32 $0x50, s31;
	v11 =	vld [tilespmem:s30+$0x20]  }
0x1bb: {  	s25 =	sor.u32 $0x60, s31;
	v13 =	vld [tilespmem:s24+$0x8000]  }
0x1bc: {  	s26 =	simm.s32 $0x0;
	s29 =	sor.u32 $0x70, s31;
	v14 =	vld [tilespmem:s25+$0x8000];
	v12 =	vmax.f32 v6, v12  }
0x1bd: {  	v15 =	vor.u32 s26, v2;
	s23 =	simm.s32 $0x80A0;
	s31 =	simm.s32 $0x1;
	v16 =	vld [tilespmem:s29+$0x8000];
	v12 =	vmax.f32 v12, v10  }
0x1be: {  	v7 =	vld [tilespmem:s23+$0x10];
	v12 =	vmax.f32 v12, v9;
	v9 =	vor.u32 s31, v2  }
0x1bf: {  	v8 =	vld [tilespmem:s23+$0x0]  }
0x1c0: {  	s22 =	simm.s32 @!p0 $0xFFFFFFFF;
	s28 =	simm.s32 $0x4;
	s0 =	sshll.u32 s0, $0xC;
	v6 =	vld [tilespmem:s23+$0x20];
	v11 =	vmax.f32 v11, v13  }
0x1c1: {  	s24 =	sand.u32 $0x3F8000, s0;
	s30 =	sshll.u32 s1, $0x4;
	s0 =	simm.s32 $0xC0;
	v13 =	vimm.f32 $-Inf;
	v10 =	vld [tilespmem:s23+$0xFFFFFFE0];
	v14 =	vmax.f32 v11, v14  }
0x1c2: {  	s26 =	simm.s32 $0x2;
	s25 =	sand.u32 $0x70, s30;
	s1 =	sor.u32 $0x50, s0;
	v11 =	vld [tilespmem:s23+$0xFFFFFFF0];
	[tilespmem:v15+s12+$0x0] =	vst.idx.msk $0xffff, v12;
	v13 =	vmax.f32 v13, v12;
	v12 =	vmax.f32 v14, v16  }
.LBB2_48:
0x1c3: {  	p0 =	slt.u32 s28, $0x1FE;
	v14 =	vld [tilespmem:s1+$0x8000];
	s1 =	sor.u32 $0x60, s0;
	[tilespmem:v9+s12+$0x0] =	vst.idx.msk $0xffff, v12;
	v12 =	vmax.f32 v13, v12;
	v13 =	vmov v7  }
0x1c4: {  	v15 =	vld [tilespmem:s1+$0x8000];
	s1 =	sor.u32 $0x70, s0;
	v16 =	vmov v8  }
0x1c5: {  	v17 =	vor.u32 s26, v2;
	s23 =	sadd.s32 $0x80, s23;
	v18 =	vld [tilespmem:s1+$0x8000];
	s1 =	sadd.s32 $0x1, s26;
	s26 =	smov.u32 s28  }
.Ltmp37:
0x1c6: {  	v7 =	vld [tilespmem:s23+$0x10];
	v9 =	vor.u32 s1, v2;
	(pc) =	sbr.rel @p0 .LBB2_48-.Ltmp37, $4  }
0x1c7: {  	v8 =	vld [tilespmem:s23+$0x0];
	v10 =	vmax.f32 v10, v11  }
0x1c8: {  	v11 =	vmax.f32 v10, v16;
	v14 =	vmax.f32 v6, v14;
	v6 =	vld [tilespmem:s23+$0x20]  }
0x1c9: {  	s0 =	sadd.s32 $0x80, s0;
	v10 =	vld [tilespmem:s23+$0xFFFFFFE0];
	v13 =	vmax.f32 v11, v13;
	v14 =	vmax.f32 v14, v15  }
0x1ca: {  	s28 =	sadd.s32 $0x2, s28;
	s1 =	sor.u32 $0x50, s0;
	v11 =	vld [tilespmem:s23+$0xFFFFFFF0];
	[tilespmem:v17+s12+$0x0] =	vst.idx.msk $0xffff, v13;
	v13 =	vmax.f32 v12, v13;
	v12 =	vmax.f32 v14, v18  }
0x1cb: {  	v14 =	vld [tilespmem:s1+$0x8000];
	s31 =	sor.u32 $0x60, s0  }
0x1cc: {  	s6 =	sor.u32 $0x70, s0;
	v15 =	vld [tilespmem:s31+$0x8000]  }
0x1cd: {  	v16 =	vld [tilespmem:s6+$0x8000];
	_ =	sdelay $0x1  }
0x1ce: {  	v10 =	vmax.f32 v10, v11  }
0x1cf: {  	v8 =	vmax.f32 v10, v8;
	v6 =	vmax.f32 v6, v14  }
0x1d0: {  	v10 =	vmax.f32 v13, v12;
	v7 =	vmax.f32 v8, v7;
	v6 =	vmax.f32 v6, v15  }
0x1d1: {  	v8 =	vmax.f32 v10, v7;
	v10 =	vmax.f32 v6, v16  }
0x1d2: {  	v6 =	vmax.f32 v8, v10  }
0x1d3: {  	s23 =	sadd.s32 $0x1, s26;
	(xrf0) =	vmax.scan.msk.f32 $0xffff, v6  }
0x1d4: {  	v11 =	vor.u32 s23, v2  }
0x1d5: {  	v8 =	vor.u32 s26, v2;
	_ =	sdelay $0x2  }
0x1d6: {  	[tilespmem:v9+s12+$0x0] =	vst.idx.msk $0xffff, v12  }
0x1d7: {  	[tilespmem:v11+s12+$0x0] =	vst.idx.msk $0xffff, v10;
	v6, _, _ =	vpop (xrf0)  }
0x1d8: {  	s31 =	simm.s32 $0x18080;
	s23 =	simm.s32 $0x0;
	[tilespmem:v8+s12+$0x0] =	vst.idx.msk $0xffff, v7;
	(v2sf) =	vpush v6, $0xF  }
0x1d9: {  	s1 =	sand.u32 $0x1F0, s23;
	v8 =	vld [tilespmem:s31+$0x0]  }
0x1da: {  	v9 =	vld [tilespmem:s1+$0x18280]  }
0x1db: {  	v10 =	vld [tilespmem:s1+$0x18480]  }
0x1dc: {  	v11 =	vld [tilespmem:s1+$0x18680]  }
0x1dd: {  	v12 =	vld [tilespmem:s1+$0x18880]  }
0x1de: {  	v13 =	vld [tilespmem:s1+$0x18A80]  }
0x1df: {  	v14 =	vld [tilespmem:s1+$0x18C80]  }
0x1e0: {  	v15 =	vld [tilespmem:s1+$0x18E80]  }
0x1e1: {  	v61 =	vld [tilespmem:s1+$0x19080]  }
0x1e2: {  	v17 =	vld [tilespmem:s1+$0x19280]  }
0x1e3: {  	v18 =	vld [tilespmem:s1+$0x19480]  }
0x1e4: {  	v19 =	vld [tilespmem:s1+$0x19680]  }
0x1e5: {  	v20 =	vld [tilespmem:s1+$0x19880];
	v8 =	vmax.f32 v8, v9  }
0x1e6: {  	v21 =	vld [tilespmem:s1+$0x19A80];
	v8 =	vmax.f32 v8, v10  }
0x1e7: {  	v9 =	vld [tilespmem:s1+$0x19C80];
	v8 =	vmax.f32 v8, v11;
	s26 =	spop (v2sf)  }
0x1e8: {  	s6 =	simm.s32 $0x18090;
	v10 =	vld [tilespmem:s1+$0x19E80];
	v8 =	vmax.f32 v8, v12;
	s0 =	sadd.f32 $-1.000000000e+00, s26;
	s26 =	simm.s32 $0x10  }
0x1e9: {  	v11 =	vld [tilespmem:s6+$0x0];
	v8 =	vmax.f32 v8, v13;
	s31 =	sand.u32 $0x1F0, s26  }
0x1ea: {  	v8 =	vmax.f32 v8, v14;
	v12 =	vld [tilespmem:s31+$0x18280]  }
0x1eb: {  	v8 =	vmax.f32 v8, v15;
	v13 =	vld [tilespmem:s31+$0x18480]  }
0x1ec: {  	v8 =	vmax.f32 v8, v61;
	v14 =	vld [tilespmem:s31+$0x18680]  }
0x1ed: {  	v8 =	vmax.f32 v8, v17;
	v15 =	vld [tilespmem:s31+$0x18880]  }
0x1ee: {  	v8 =	vmax.f32 v8, v18;
	v62 =	vld [tilespmem:s31+$0x18A80]  }
0x1ef: {  	v8 =	vmax.f32 v8, v19;
	v11 =	vmax.f32 v11, v12;
	v12 =	vld [tilespmem:s31+$0x18C80]  }
0x1f0: {  	v8 =	vmax.f32 v8, v20;
	v11 =	vmax.f32 v11, v13;
	v13 =	vld [tilespmem:s31+$0x18E80]  }
0x1f1: {  	v8 =	vmax.f32 v8, v21;
	v11 =	vmax.f32 v11, v14  }
0x1f2: {  	v8 =	vmax.f32 v8, v9;
	v11 =	vmax.f32 v11, v15  }
0x1f3: {  	v10 =	vmax.f32 v8, v10;
	v7 =	vmov s0;
	v11 =	vmax.f32 v11, v62  }
0x1f4: {  	vm0 =	vgt.f32 v10, v7;
	v9 =	vmax.f32 v11, v12  }
0x1f5: {  	v9 =	vmax.f32 v9, v13;
	v13 =	vmpcnt.ones.xlane vm0;
	_ =	sdelay $0x1  }
0x1f6: {  	v14 =	vld [tilespmem:s31+$0x19080];
	(v2sf) =	vpush v13, $0x0  }
0x1f7: {  	v15 =	vld [tilespmem:s31+$0x19280]  }
0x1f8: {  	v63 =	vld [tilespmem:s31+$0x19480]  }
0x1f9: {  	v12 =	vld [tilespmem:s31+$0x19680]  }
0x1fa: {  	v8 =	vld [tilespmem:s31+$0x19880]  }
0x1fb: {  	v10 =	vmax.f32 v9, v14;
	v9 =	vld [tilespmem:s31+$0x19A80]  }
0x1fc: {  	v11 =	vmax.f32 v10, v15;
	v10 =	vld [tilespmem:s31+$0x19C80]  }
0x1fd: {  	s28 =	simm.s32 $0x20;
	s30 =	simm.s32 $0x180A0;
	v14 =	vor.u32 s23, v0;
	v15 =	vmax.f32 v11, v63;
	v11 =	vld [tilespmem:s31+$0x19E80]  }
0x1fe: {  	s29 =	sand.u32 $0x1F0, s28;
	s0 =	simm.s32 $0x30;
	[tilespmem:s23+$0x1A080] =	vst.msk vm0, v14;
	v13 =	vld [tilespmem:s30+$0x0];
	v12 =	vmax.f32 v15, v12  }
.LBB2_50:
0x1ff: {  	p0 =	seq.s32 s0, $0x1F0;
	v14 =	vld [tilespmem:s29+$0x18280];
	v8 =	vmax.f32 v12, v8  }
0x200: {  	v12 =	vld [tilespmem:s29+$0x18480];
	v8 =	vmax.f32 v8, v9  }
0x201: {  	v9 =	vld [tilespmem:s29+$0x18680];
	v8 =	vmax.f32 v8, v10  }
0x202: {  	v10 =	vld [tilespmem:s29+$0x18880];
	v8 =	vmax.f32 v8, v11  }
0x203: {  	v11 =	vld [tilespmem:s29+$0x18A80];
	vm0 =	vgt.f32 v8, v7  }
0x204: {  	v8 =	vmax.f32 v13, v14;
	v13 =	vld [tilespmem:s29+$0x18C80];
	v14 =	vmpcnt.ones.xlane vm0  }
0x205: {  	v8 =	vmax.f32 v8, v12;
	v12 =	vld [tilespmem:s29+$0x18E80];
	s1 =	spop (v2sf)  }
0x206: {  	v15 =	vor.u32 s26, v0;
	s26 =	smov.u32 s28;
	s28 =	smov.u32 s0;
	v8 =	vmax.f32 v8, v9;
	v9 =	vld [tilespmem:s29+$0x19080];
	(v2sf) =	vpush v14, $0x0;
	s23 =	sadd.s32 s23, s1  }
0x207: {  	v8 =	vmax.f32 v8, v10;
	v10 =	vld [tilespmem:s29+$0x19280];
	[tilespmem:s23+$0x1A080] =	vst.msk vm0, v15  }
0x208: {  	v8 =	vmax.f32 v8, v11;
	v11 =	vld [tilespmem:s29+$0x19480]  }
0x209: {  	v8 =	vmax.f32 v8, v13;
	v14 =	vld [tilespmem:s29+$0x19680]  }
.Ltmp38:
0x20a: {  	v12 =	vmax.f32 v8, v12;
	v8 =	vld [tilespmem:s29+$0x19880];
	(pc) =	sbr.rel @!p0 .LBB2_50-.Ltmp38, $4  }
0x20b: {  	v12 =	vmax.f32 v12, v9;
	v9 =	vld [tilespmem:s29+$0x19A80]  }
0x20c: {  	v12 =	vmax.f32 v12, v10;
	v10 =	vld [tilespmem:s29+$0x19C80]  }
0x20d: {  	s30 =	sadd.s32 $0x10, s30;
	v12 =	vmax.f32 v12, v11;
	v11 =	vld [tilespmem:s29+$0x19E80]  }
0x20e: {  	s0 =	sadd.s32 $0x10, s0;
	s29 =	sand.u32 $0x1F0, s28;
	v13 =	vld [tilespmem:s30+$0x0];
	v12 =	vmax.f32 v12, v14  }
0x20f: {  	v14 =	vld [tilespmem:s29+$0x18280]  }
0x210: {  	v15 =	vld [tilespmem:s29+$0x18480]  }
0x211: {  	v16 =	vld [tilespmem:s29+$0x18680]  }
0x212: {  	v17 =	vld [tilespmem:s29+$0x18880]  }
0x213: {  	v18 =	vld [tilespmem:s29+$0x18A80]  }
0x214: {  	v51 =	vld [tilespmem:s29+$0x18C80];
	v13 =	vmax.f32 v13, v14  }
0x215: {  	v52 =	vld [tilespmem:s29+$0x18E80];
	v13 =	vmax.f32 v13, v15  }
0x216: {  	v53 =	vld [tilespmem:s29+$0x19080];
	v13 =	vmax.f32 v13, v16  }
0x217: {  	v54 =	vld [tilespmem:s29+$0x19280];
	v13 =	vmax.f32 v13, v17  }
0x218: {  	v55 =	vld [tilespmem:s29+$0x19480];
	v13 =	vmax.f32 v13, v18  }
0x219: {  	v56 =	vld [tilespmem:s29+$0x19680];
	v13 =	vmax.f32 v13, v51  }
0x21a: {  	v57 =	vld [tilespmem:s29+$0x19880];
	v13 =	vmax.f32 v13, v52  }
0x21b: {  	v58 =	vld [tilespmem:s29+$0x19A80];
	v13 =	vmax.f32 v13, v53  }
0x21c: {  	v59 =	vld [tilespmem:s29+$0x19C80];
	v13 =	vmax.f32 v13, v54  }
0x21d: {  	v60 =	vld [tilespmem:s29+$0x19E80];
	v13 =	vmax.f32 v13, v55  }
0x21e: {  	v8 =	vmax.f32 v12, v8;
	v61 =	vmax.f32 v13, v56  }
0x21f: {  	v8 =	vmax.f32 v8, v9;
	v62 =	vmax.f32 v61, v57  }
0x220: {  	v8 =	vmax.f32 v8, v10;
	v9 =	vmax.f32 v62, v58  }
0x221: {  	v8 =	vmax.f32 v8, v11;
	v9 =	vmax.f32 v9, v59  }
0x222: {  	vm0 =	vgt.f32 v8, v7;
	v8 =	vmax.f32 v9, v60  }
0x223: {  	v63 =	vmpcnt.ones.xlane vm0;
	vm1 =	vgt.f32 v8, v7  }
0x224: {  	v8 =	vmpcnt.ones.xlane vm1  }
0x225: {  	(v2sf) =	vpush v63, $0x0  }
0x226: {  	(v2sf) =	vpush v8, $0x0;
	_ =	sdelay $0xc  }
0x227: {  	s0 =	spop (v2sf)  }
0x228: {  	s0 =	sadd.s32 s23, s0;
	s1 =	spop (v2sf);
	v8 =	vor.u32 s26, v0  }
0x229: {  	[tilespmem:s0+$0x1A080] =	vst.msk vm0, v8;
	s0 =	sadd.s32 s0, s1;
	s1 =	spop (v2sf)  }
0x22a: {  	s6 =	sadd.s32 s0, s1  }
0x22b: {  	p0 =	slt.s32 s6, $0x1  }
.Ltmp39:
0x22c: {  	_ = 	snop;
	(pc) =	sbr.rel @p0 .LBB2_55-.Ltmp39, $3  }
0x22d: {  	_ =	sdelay $0x1  }
0x22e: {  	v6 =	vbroadcast v6, $0xF;
	v8 =	vor.u32 s28, v0  }
0x22f: {  	s26 =	simm.s32 $0x0;
	s28 =	simm.s32 $0x0;
	[tilespmem:s0+$0x1A080] =	vst.msk vm1, v8  }
0x230: {  	s23 =	sadd.s32 s0, s1;
	s0 =	simm.s32 $0x0  }
0x231: {  	v8 =	vmov s0;
	_ =	sdelay $0x4  }
0x232: {  	v8 =	vld.idx.msk [tilespmem:v8+s13+$0x0], $0xffff;
	_ =	sdelay $0x4  }
0x233: {  	(v2sf) =	vpush v8, $0x0;
	_ =	sdelay $0xe  }
0x234: {  	s6 =	spop (v2sf)  }
0x235: {  	s28 =	sshll.u32 s6, $0x6  }
0x236: {  	v8 =	vld [tilespmem:s28+$0x8000];
	_ =	sdelay $0x4  }
0x237: {  	vm0 =	vgt.f32 v8, v7  }
0x238: {  	v9 =	vmpcnt.ones.xlane vm0;
	_ =	sdelay $0x1  }
0x239: {  	(v2sf) =	vpush v9, $0x0;
	_ =	sdelay $0x2  }
0x23a: {  	p0 =	por $0x1, $0x1;
	v8 =	vsub.f32 v8, v6  }
0x23b: {  	s0 =	simm.s32 @!p0 $0x800  }
0x23c: {  	[tilespmem:s0+$0x1A280] =	vst.msk vm0, v8;
	v8 =	vor.u32 s28, v0  }
0x23d: {  	[tilespmem:s0+$0x1B380] =	vst.msk vm0, v8  }
0x23e: {  	v8 =	vld [tilespmem:s28+$0x8010];
	_ =	sdelay $0x4  }
0x23f: {  	vm15 =	vgt.f32 v8, v7  }
0x240: {  	v10 =	vmpcnt.ones.xlane vm15;
	_ =	sdelay $0x1  }
0x241: {  	s30 =	spop (v2sf);
	(v2sf) =	vpush v10, $0x0;
	_ =	sdelay $0x4  }
0x242: {  	s0 =	sadd.s32 $0x0, s30  }
0x243: {  	p0 =	slt.s32 s0, $0x800;
	s1 =	smov.u32 s0  }
0x244: {  	s1 =	simm.s32 @!p0 $0x800;
	p0 =	seq.s32 s23, $0x1  }
.Ltmp40:
0x245: {  	v9 =	vsub.f32 v8, v6;
	(pc) =	sbr.rel @p0 .LBB2_54-.Ltmp40, $4  }
0x246: {  	s6 =	sor.u32 $0x10, s28  }
0x247: {  	v8 =	vor.u32 s6, v0;
	[tilespmem:s1+$0x1A280] =	vst.msk vm15, v9  }
0x248: {  	s31 =	sor.u32 $0x30, s28;
	[tilespmem:s1+$0x1B380] =	vst.msk vm15, v8  }
0x249: {  	s29 =	simm.s32 $0x1;
	v8 =	vor.u32 s31, v0;
	v9 =	vld [tilespmem:s28+$0x8020]  }
.LBB2_53:
0x24a: {  	v10 =	vmov s29;
	_ =	sdelay $0x1  }
0x24b: {  	s29 =	sadd.s32 $0x1, s29;
	s1 =	spop (v2sf)  }
0x24c: {  	p0 =	seq.s32 s23, s29;
	s0 =	sadd.s32 s0, s1  }
0x24d: {  	p1 =	slt.s32 s0, $0x800;
	v11 =	vsub.f32 v9, v6;
	s6 =	smov.u32 s0  }
0x24e: {  	s1 =	sor.u32 $0x20, s28;
	vm0 =	vgt.f32 v9, v7;
	v10 =	vld.idx.msk [tilespmem:v10+s13+$0x0], $0xffff;
	s6 =	simm.s32 @!p1 $0x800  }
0x24f: {  	v9 =	vor.u32 s1, v0;
	[tilespmem:s6+$0x1A280] =	vst.msk vm0, v11  }
0x250: {  	[tilespmem:s6+$0x1B380] =	vst.msk vm0, v9  }
0x251: {  	v9 =	vld [tilespmem:s28+$0x8030];
	_ =	sdelay $0x2  }
0x252: {  	(v2sf) =	vpush v10, $0x0;
	_ =	sdelay $0x1  }
0x253: {  	v10 =	vmpcnt.ones.xlane vm0;
	vm0 =	vgt.f32 v9, v7;
	v9 =	vsub.f32 v9, v6  }
0x254: {  	v11 =	vmpcnt.ones.xlane vm0  }
0x255: {  	(v2sf) =	vpush v10, $0x0  }
0x256: {  	(v2sf) =	vpush v11, $0x0;
	_ =	sdelay $0x9  }
0x257: {  	s1 =	spop (v2sf)  }
0x258: {  	s28 =	sshll.u32 s1, $0x6  }
0x259: {  	v10 =	vld [tilespmem:s28+$0x8000];
	s1 =	sor.u32 $0x30, s28  }
0x25a: {  	v11 =	vor.u32 s1, v0  }
0x25b: {  	s1 =	spop (v2sf)  }
0x25c: {  	s0 =	sadd.s32 s0, s1;
	s1 =	spop (v2sf)  }
0x25d: {  	p1 =	slt.s32 s0, $0x800;
	s1 =	sadd.s32 s0, s1  }
0x25e: {  	vm1 =	vgt.f32 v10, v7;
	p2 =	slt.s32 s1, $0x800;
	v10 =	vsub.f32 v10, v6;
	s0 =	simm.s32 @!p1 $0x800;
	s6 =	smov.u32 s1  }
0x25f: {  	s6 =	simm.s32 @!p2 $0x800;
	v12 =	vmpcnt.ones.xlane vm1;
	[tilespmem:s0+$0x1A280] =	vst.msk vm0, v9  }
0x260: {  	v9 =	vor.u32 s28, v0;
	[tilespmem:s6+$0x1A280] =	vst.msk vm1, v10  }
0x261: {  	[tilespmem:s6+$0x1B380] =	vst.msk vm1, v9;
	(v2sf) =	vpush v12, $0x0  }
0x262: {  	v9 =	vld [tilespmem:s28+$0x8010];
	[tilespmem:s0+$0x1B380] =	vst.msk vm0, v8;
	v8 =	vmov v11;
	_ =	sdelay $0x4  }
0x263: {  	vm0 =	vgt.f32 v9, v7  }
0x264: {  	v10 =	vmpcnt.ones.xlane vm0;
	_ =	sdelay $0x1  }
0x265: {  	(v2sf) =	vpush v10, $0x0;
	_ =	sdelay $0x5  }
0x266: {  	s0 =	spop (v2sf)  }
0x267: {  	s0 =	sadd.s32 s1, s0  }
.Ltmp41:
0x268: {  	v9 =	vsub.f32 v9, v6;
	p1 =	slt.s32 s0, $0x800;
	s6 =	smov.u32 s0;
	(pc) =	sbr.rel @!p0 .LBB2_53-.Ltmp41, $4  }
0x269: {  	s1 =	sor.u32 $0x10, s28;
	s6 =	simm.s32 @!p1 $0x800  }
0x26a: {  	[tilespmem:s6+$0x1A280] =	vst.msk vm0, v9;
	v9 =	vor.u32 s1, v0  }
0x26b: {  	[tilespmem:s6+$0x1B380] =	vst.msk vm0, v9  }
0x26c: {  	v9 =	vld [tilespmem:s28+$0x8020]  }
.LBB2_54:
0x26d: {  	_ =	sdelay $0x1  }
0x26e: {  	s1 =	spop (v2sf)  }
0x26f: {  	s0 =	sadd.s32 s0, s1  }
0x270: {  	p0 =	slt.s32 s0, $0x800;
	v10 =	vsub.f32 v9, v6;
	s1 =	smov.u32 s0  }
0x271: {  	s6 =	sor.u32 $0x20, s28;
	vm0 =	vgt.f32 v9, v7;
	s1 =	simm.s32 @!p0 $0x800  }
0x272: {  	v62 =	vor.u32 s6, v0;
	[tilespmem:s1+$0x1A280] =	vst.msk vm0, v10  }
0x273: {  	[tilespmem:s1+$0x1B380] =	vst.msk vm0, v62  }
0x274: {  	v9 =	vld [tilespmem:s28+$0x8030];
	_ =	sdelay $0x3  }
0x275: {  	v63 =	vmpcnt.ones.xlane vm0  }
0x276: {  	vm15 =	vgt.f32 v9, v7  }
0x277: {  	(v2sf) =	vpush v63, $0x0;
	v7 =	vmpcnt.ones.xlane vm15;
	_ =	sdelay $0x1  }
0x278: {  	(v2sf) =	vpush v7, $0x0;
	_ =	sdelay $0xc  }
0x279: {  	s30 =	spop (v2sf)  }
0x27a: {  	s0 =	sadd.s32 s0, s30  }
0x27b: {  	v7 =	vsub.f32 v9, v6;
	p0 =	slt.s32 s0, $0x800;
	s31 =	spop (v2sf)  }
0x27c: {  	s28 =	sadd.s32 s0, s31;
	s0 =	simm.s32 @!p0 $0x800  }
0x27d: {  	[tilespmem:s0+$0x1A280] =	vst.msk vm15, v7  }
0x27e: {  	[tilespmem:s0+$0x1B380] =	vst.msk vm15, v8  }
.LBB2_55:
0x27f: {  	p0 =	slt.s32 s28, $0x800;
	s0 =	smov.u32 s28  }
0x280: {  	s0 =	simm.s32 @!p0 $0x800  }
0x281: {  	v7 =	vadd.s32 s0, v0  }
0x282: {  	p0 =	slt.s32 s28, $0x801  }
.Ltmp42:
0x283: {  	_ = 	snop;
	(pc) =	sbr.rel @p0 .LBB2_56-.Ltmp42, $3  }
0x284: {  	_ =	sdelay $0x1  }
0x285: {  	s0 =	sadd.s32 $0xF, s0;
	[tilespmem:v7+s14+$0x0] =	vst.idx.msk $0xffff, v3  }
0x286: {  	s29 =	simm.f32 $-1.000000000e+00;
	s30 =	simm.f32 $0.0e+00;
	s23 =	sshra.s32 s0, $0x4;
	[tilespmem:v7+s18+$0x0] =	vst.idx.msk $0xffff, v4  }
.LBB2_67:
0x287: {  	s6 =	simm.s32 $0x0  }
0x288: {  	s0 =	sadd.f32 s30, s29;
	v9 =	vld [tilespmem:s6+$0x8000];
	_ =	sdelay $0x1  }
0x289: {  	s0 =	smul.f32 $5.000000000e-01, s0;
	_ =	sdelay $0x1  }
0x28a: {  	v7 =	vimm.f32 $0.0e+00;
	s1 =	simm.s32 $0x40;
	v8 =	vmov s0  }
.LBB2_68:
0x28b: {  	s6 =	sshra.s32 s1, $0x2;
	p1 =	sne.s32 s1, $0x1FFC0;
	s1 =	sadd.s32 $0x40, s1;
	v10 =	vsub.f32 v9, v6  }
.Ltmp43:
0x28c: {  	v9 =	vld [tilespmem:s6+$0x8000];
	(pc) =	sbr.rel @p1 .LBB2_68-.Ltmp43, $3  }
0x28d: {  	v10 =	vsub.f32 v10, v8;
	_ =	sdelay $0x1  }
0x28e: {  	v10 =	vmax.f32 v10, $0.0e+00  }
0x28f: {  	v7 =	vadd.f32 v10, v7  }
0x290: {  	v9 =	vsub.f32 v9, v6;
	_ =	sdelay $0x1  }
0x291: {  	v8 =	vsub.f32 v9, v8;
	_ =	sdelay $0x1  }
0x292: {  	v8 =	vmax.f32 v8, $0.0e+00  }
0x293: {  	v7 =	vadd.f32 v8, v7;
	_ =	sdelay $0x1  }
0x294: {  	(xrf2) =	vadd.scan.msk.f32 $0xffff, v7;
	_ =	sdelay $0x9  }
0x295: {  	v7, _, _ =	vpop (xrf2)  }
0x296: {  	(v2sf) =	vpush v7, $0xF;
	_ =	sdelay $0xe  }
0x297: {  	s1 =	spop (v2sf)  }
0x298: {  	s1 =	sadd.f32 $-1.000000000e+00, s1;
	_ =	sdelay $0x1  }
0x299: {  	p1 =	sge.f32 s1, $0.0e+00  }
0x29a: {  	s26 =	sadd.s32 $0x1, s26  }
0x29b: {  	s29 =	smov.u32 @p1 s0;
	s0 =	smov.u32 @p1 s30;
	p1 =	seq.s32 s26, $0x19  }
.Ltmp44:
0x29c: {  	_ = 	snop;
	(pc) =	sbr.rel @!p1 .LBB2_67-.Ltmp44, $2  }
0x29d: {  	_ =	sdelay $0x2  }
0x29e: {  	s30 =	smov.u32 s0  }
0x29f: {  	s1 =	simm.s32 $0x0  }
0x2a0: {  	v10 =	vld [tilespmem:s1+$0x8000];
	_ =	sdelay $0x2  }
0x2a1: {  	v9 =	vmov s29;
	v7 =	vimm.f32 $0.0e+00;
	v8 =	vimm.s32 $0x0;
	s0 =	simm.s32 $0x40  }
.LBB2_71:
0x2a2: {  	p1 =	sne.s32 s0, $0x1FFC0  }
.Ltmp45:
0x2a3: {  	s1 =	sshra.s32 s0, $0x2;
	s0 =	sadd.s32 $0x40, s0;
	v11 =	vsub.f32 v10, v6;
	(pc) =	sbr.rel @p1 .LBB2_71-.Ltmp45, $4  }
0x2a4: {  	v10 =	vld [tilespmem:s1+$0x8000]  }
0x2a5: {  	vm0 =	vgt.f32 v11, v9  }
0x2a6: {  	v11 =	vnsel vm0, $0x0, v11;
	v12 =	vsel vm0, $0x1, v5  }
0x2a7: {  	v7 =	vadd.f32 v11, v7;
	v8 =	vadd.s32 v12, v8  }
0x2a8: {  	_ = 	snop  }
.Ltmp46:
0x2a9: {  	v10 =	vsub.f32 v10, v6;
	(pc) =	sbr.rel .LBB2_73-.Ltmp46, $4  }
0x2aa: {  	_ = 	snop  }
0x2ab: {  	vm0 =	vgt.f32 v10, v9  }
0x2ac: {  	v9 =	vnsel vm0, $0x0, v10;
	v10 =	vsel vm0, $0x1, v5  }
0x2ad: {  	v7 =	vadd.f32 v9, v7;
	v8 =	vadd.s32 v10, v8  }
.LBB2_57:
0x2ae: {  	v7 =	vimm.f32 $0.0e+00  }
.LBB2_63:
0x2af: {  	(xrf2) =	vadd.scan.msk.f32 $0xffff, v7;
	_ =	sdelay $0x9  }
0x2b0: {  	v7, _, _ =	vpop (xrf2)  }
0x2b1: {  	(v2sf) =	vpush v7, $0xF;
	_ =	sdelay $0xe  }
0x2b2: {  	s1 =	spop (v2sf)  }
0x2b3: {  	s1 =	sadd.f32 $-1.000000000e+00, s1;
	_ =	sdelay $0x1  }
0x2b4: {  	p2 =	sge.f32 s1, $0.0e+00  }
0x2b5: {  	s26 =	sadd.s32 $0x1, s26  }
0x2b6: {  	s29 =	smov.u32 @p2 s0;
	s0 =	smov.u32 @p2 s30;
	p2 =	seq.s32 s26, $0x19  }
.Ltmp47:
0x2b7: {  	_ = 	snop;
	(pc) =	sbr.rel @p2 .LBB2_58-.Ltmp47, $2  }
0x2b8: {  	_ =	sdelay $0x2  }
0x2b9: {  	s30 =	smov.u32 s0  }
.LBB2_56:
0x2ba: {  	p1 =	slt.s32 s23, $0x1  }
.Ltmp48:
0x2bb: {  	_ = 	snop;
	(pc) =	sbr.rel @p1 .LBB2_57-.Ltmp48, $3  }
0x2bc: {  	_ = 	snop  }
0x2bd: {  	s0 =	sadd.f32 s30, s29;
	_ =	sdelay $0x1  }
0x2be: {  	s0 =	smul.f32 $5.000000000e-01, s0  }
0x2bf: {  	s1 =	simm.s32 $0x1A280  }
0x2c0: {  	p2 =	sne.s32 s23, $0x1;
	v9 =	vld [tilespmem:s1+$0x0]  }
.Ltmp49:
0x2c1: {  	_ = 	snop;
	(pc) =	sbr.rel @!p2 .LBB2_62-.Ltmp49, $3  }
0x2c2: {  	_ =	sdelay $0x1  }
0x2c3: {  	v8 =	vmov s0  }
0x2c4: {  	v7 =	vimm.f32 $0.0e+00;
	s6 =	simm.s32 $0x1A290;
	s1 =	sadd.s32 $0xFFFFFFFF, s23;
	v9 =	vsub.f32 v9, v8  }
.LBB2_61:
0x2c5: {  	v10 =	vld [tilespmem:s6+$0x0];
	p2 =	sne.s32 s1, $0x1;
	s1 =	sadd.s32 $0xFFFFFFFF, s1  }
.Ltmp50:
0x2c6: {  	v9 =	vmax.f32 v9, $0.0e+00;
	(pc) =	sbr.rel @p2 .LBB2_61-.Ltmp50, $2  }
0x2c7: {  	v7 =	vadd.f32 v9, v7;
	_ =	sdelay $0x2  }
0x2c8: {  	s6 =	sadd.s32 $0x10, s6;
	v9 =	vsub.f32 v10, v8  }
.LBB2_62:
.Ltmp51:
0x2c9: {  	(pc) =	sbr.rel .LBB2_63-.Ltmp51, $3  }
0x2ca: {  	_ = 	snop  }
0x2cb: {  	v8 =	vmax.f32 v9, $0.0e+00  }
0x2cc: {  	v7 =	vadd.f32 v8, v7;
	_ =	sdelay $0x1  }
.LBB2_58:
.Ltmp52:
0x2cd: {  	(pc) =	sbr.rel @p1 .LBB2_59-.Ltmp52, $1  }
0x2ce: {  	_ =	sdelay $0x3  }
0x2cf: {  	s0 =	simm.s32 $0x1A280  }
0x2d0: {  	p1 =	seq.s32 s23, $0x1;
	v10 =	vld [tilespmem:s0+$0x0]  }
.Ltmp53:
0x2d1: {  	_ = 	snop;
	(pc) =	sbr.rel @p1 .LBB2_66-.Ltmp53, $3  }
0x2d2: {  	_ =	sdelay $0x1  }
0x2d3: {  	v9 =	vmov s29  }
0x2d4: {  	v7 =	vimm.f32 $0.0e+00;
	v8 =	vimm.s32 $0x0;
	s1 =	simm.s32 $0x1A290;
	s0 =	sadd.s32 $0xFFFFFFFF, s23;
	vm0 =	vgt.f32 v10, v9  }
.LBB2_65:
0x2d5: {  	p1 =	seq.s32 s0, $0x1;
	s0 =	sadd.s32 $0xFFFFFFFF, s0;
	v11 =	vnsel vm0, $0x0, v10;
	v10 =	vld [tilespmem:s1+$0x0];
	v12 =	vsel vm0, $0x1, v5  }
.Ltmp54:
0x2d6: {  	v7 =	vadd.f32 v11, v7;
	v8 =	vadd.s32 v12, v8;
	(pc) =	sbr.rel @!p1 .LBB2_65-.Ltmp54, $2  }
0x2d7: {  	_ =	sdelay $0x2  }
0x2d8: {  	s1 =	sadd.s32 $0x10, s1;
	vm0 =	vgt.f32 v10, v9  }
.LBB2_66:
.Ltmp55:
0x2d9: {  	(pc) =	sbr.rel .LBB2_73-.Ltmp55, $3  }
0x2da: {  	_ =	sdelay $0x1  }
0x2db: {  	v9 =	vnsel vm0, $0x0, v10;
	v10 =	vsel vm0, $0x1, v5  }
0x2dc: {  	v7 =	vadd.f32 v9, v7;
	v8 =	vadd.s32 v10, v8  }
.LBB2_59:
0x2dd: {  	v8 =	vimm.s32 $0x0;
	v7 =	vimm.f32 $0.0e+00  }
.LBB2_73:
0x2de: {  	_ = 	snop  }
0x2df: {  	(xrf2) =	vadd.scan.msk.f32 $0xffff, v7;
	_ =	sdelay $0x4  }
0x2e0: {  	(xrf0) =	vadd.scan.msk.s32 $0xffff, v8;
	_ =	sdelay $0x4  }
0x2e1: {  	v7, _, _ =	vpop (xrf2)  }
0x2e2: {  	(v2sf) =	vpush v7, $0xF;
	v7, _, _ =	vpop (xrf0)  }
0x2e3: {  	(v2sf) =	vpush v7, $0xF;
	_ =	sdelay $0xd  }
0x2e4: {  	s26 =	spop (v2sf)  }
0x2e5: {  	s0 =	spop (v2sf)  }
0x2e6: {  	s0 =	scvt.s32.f32 s0;
	_ =	sdelay $0x1  }
0x2e7: {  	v7 =	vmov s0  }
0x2e8: {  	(erf) = vrcp.f32 v7;
	_ =	sdelay $0x6  }
0x2e9: {  	p1 =	slt.s32 s22, $0x0  }
.Ltmp56:
0x2ea: {  	_ = 	snop;
	(pc) =	sbr.rel @p1 .LBB2_78-.Ltmp56, $4  }
0x2eb: {  	v7 =	vpop (erf)  }
0x2ec: {  	_ =	swait.ge [sflag:s19], $0x8000  }
0x2ed: {  	[sflag:s19] =	ssyncset.done $0x0  }
0x2ee: {  	[sflag:s19] =	ssyncadd.s32 $0xFFFF8000  }
0x2ef: {  	p1 =	seq.s32 s22, $0x0  }
.Ltmp57:
0x2f0: {  	_ = 	snop;
	(pc) =	sbr.rel @p1 .LBB2_81-.Ltmp57, $2  }
0x2f1: {  	_ =	sdelay $0x2  }
0x2f2: {  	s0 =	simm.s32 $0x1AB00  }
0x2f3: {  	p1 =	seq.s32 s22, $0x1  }
.Ltmp58:
0x2f4: {  	_ = 	snop;
	(pc) =	sbr.rel @p1 .LBB2_77-.Ltmp58, $2  }
0x2f5: {  	_ =	sdelay $0x2  }
0x2f6: {  	v8 =	vld [tilespmem:s0+$0x0];
	s1 =	sadd.s32 $0xFFFFFFFF, s22  }
.LBB2_76:
0x2f7: {  	p1 =	seq.s32 s1, $0x1;
	_ =	sdelay $0x3  }
.Ltmp59:
0x2f8: {  	(pc) =	sbr.rel @!p1 .LBB2_76-.Ltmp59, $3  }
0x2f9: {  	_ =	sdelay $0x1  }
0x2fa: {  	s0 =	sadd.s32 $0x10, s0;
	[tilespmem:v8+s16+$0x0] =	vst.idx.msk $0xffff, v1  }
0x2fb: {  	s1 =	sadd.s32 $0xFFFFFFFF, s1;
	v8 =	vld [tilespmem:s0+$0x0]  }
.LBB2_77:
0x2fc: {  	_ =	sdelay $0x3  }
.Ltmp60:
0x2fd: {  	_ = 	snop;
	(pc) =	sbr.rel .LBB2_81-.Ltmp60, $2  }
0x2fe: {  	_ =	sdelay $0x2  }
0x2ff: {  	[tilespmem:v8+s16+$0x0] =	vst.idx.msk $0xffff, v1  }
.LBB2_78:
0x300: {  	s0 =	simm.s32 $0x40;
	s1 =	simm.s32 $0x0  }
.LBB2_79:
0x301: {  	p1 =	sne.s32 s0, $0x1FFC0;
	[tilespmem:s1+$0x10000] =	vst v1;
	s1 =	smov.u32 s0;
	s0 =	sadd.s32 $0x40, s0  }
.Ltmp61:
0x302: {  	(pc) =	sbr.rel @p1 .LBB2_79-.Ltmp61, $2  }
0x303: {  	_ =	sdelay $0x2  }
0x304: {  	s1 =	sshra.s32 s1, $0x2  }
0x305: {  	[tilespmem:s1+$0x10000] =	vst v1  }
.LBB2_81:
0x306: {  	p1 =	sgt.s32 s28, $0x800  }
.Ltmp62:
0x307: {  	_ = 	snop;
	(pc) =	sbr.rel @p1 .LBB2_86-.Ltmp62, $3  }
0x308: {  	_ = 	snop  }
0x309: {  	s0 =	sadd.f32 $-1.000000000e+00, s26;
	_ =	sdelay $0x1  }
0x30a: {  	v7 =	vmul.f32 s0, v7  }
0x30b: {  	p1 =	slt.s32 s23, $0x1  }
.Ltmp63:
0x30c: {  	_ = 	snop;
	(pc) =	sbr.rel @p1 .LBB2_89-.Ltmp63, $1  }
0x30d: {  	_ =	sdelay $0x3  }
0x30e: {  	s0 =	simm.s32 $0x1B380;
	p1 =	seq.s32 s23, $0x1  }
.Ltmp64:
0x30f: {  	s22 =	simm.s32 $0x1A280;
	v6 =	vld [tilespmem:s0+$0x0];
	(pc) =	sbr.rel @p1 .LBB2_85-.Ltmp64, $2  }
0x310: {  	v8 =	vld [tilespmem:s22+$0x0];
	_ =	sdelay $0x2  }
0x311: {  	s26 =	sadd.s32 $0xFFFFFFFF, s23  }
.LBB2_84:
0x312: {  	p1 =	seq.s32 s26, $0x1;
	_ =	sdelay $0x3  }
0x313: {  	v8 =	vsub.f32 v8, v7  }
.Ltmp65:
0x314: {  	(pc) =	sbr.rel @!p1 .LBB2_84-.Ltmp65, $4  }
0x315: {  	v8 =	vmax.f32 v8, $0.0e+00  }
0x316: {  	s0 =	sadd.s32 $0x10, s0;
	[tilespmem:v6+s16+$0x0] =	vst.idx.msk $0xffff, v8  }
0x317: {  	s22 =	sadd.s32 $0x10, s22;
	v6 =	vld [tilespmem:s0+$0x0]  }
0x318: {  	s26 =	sadd.s32 $0xFFFFFFFF, s26;
	v8 =	vld [tilespmem:s22+$0x0]  }
.Ltmp66:
0x319: {  	_ = 	snop;
	(pc) =	sbr.rel .LBB2_85-.Ltmp66, $1  }
0x31a: {  	_ =	sdelay $0x3  }
.LBB2_86:
0x31b: {  	s0 =	simm.s32 $0x0  }
0x31c: {  	s1 =	simm.s32 $0x40;
	v6 =	vadd.f32 v7, v6;
	v7 =	vld [tilespmem:s0+$0x8000]  }
.LBB2_87:
0x31d: {  	_ =	sdelay $0x1  }
0x31e: {  	p1 =	sne.s32 s1, $0x1FFC0  }
.Ltmp67:
0x31f: {  	_ = 	snop;
	(pc) =	sbr.rel @p1 .LBB2_87-.Ltmp67, $3  }
0x320: {  	v8 =	vsub.f32 v7, v6;
	_ =	sdelay $0x1  }
0x321: {  	s6 =	sshra.s32 s1, $0x2;
	v8 =	vmax.f32 v8, $0.0e+00  }
0x322: {  	s1 =	sadd.s32 $0x40, s1;
	v7 =	vld [tilespmem:s6+$0x8000];
	[tilespmem:s0+$0x10000] =	vst v8;
	s0 =	smov.u32 s6  }
0x323: {  	_ =	sdelay $0x2  }
.Ltmp68:
0x324: {  	_ = 	snop;
	(pc) =	sbr.rel .LBB2_89-.Ltmp68, $3  }
0x325: {  	v6 =	vsub.f32 v7, v6;
	_ =	sdelay $0x1  }
0x326: {  	v6 =	vmax.f32 v6, $0.0e+00  }
0x327: {  	[tilespmem:s0+$0x10000] =	vst v6  }
.LBB2_91:
0x328: {  	_ =	sfence.sel $0x180000  }
0x329: {  	[bflag:$0x0] =	sbarrier.arrive $0xFFFF  }
0x32a: {  	_ =	strace $0x90000047  }
0x32b: {  	s0 =	stileid.u32;
	[bflag:$0x2] =	sbarrier.arrive $0xFFFF  }
0x32c: {  	p0 =	sne.s32 s0, $0x0;
	s0 =	rddreg [dreg:$0x2]  }
0x32d: {  	s0 =	sadd.s32 @!p0 $0x100000, s0  }
0x32e: {  	[sflag:s0] =	ssyncadd.tile.s32 @!p0 $0x1;
	_ =	shalt  }
.Lfunc_end2:
_tile_overlayer_lowered:
.L_overlay_start_2:
0x32f: {  	(tag) =	ssettag $0x2  }
0x330: {  	s0 =	rddreg [dreg:$0x0];
	s2 =	stileid.u32  }
0x331: {  	s1 =	rddreg [dreg:$0x1];
	p0 =	sne.s32 s2, $0x0  }
0x332: {  	s3 =	rddreg [dreg:$0x2];
	[bflag:$0x3] =	sbarrier.arrive $0xFFFF;
	s2 =	simm.s32 @!p0 $0x1C04  }
0x333: {  	[timem:s3], [sflag:s2] =	dma.local @!p0 [hbm:s0], s1  }
0x334: {  	s0 =	simm.s32 @!p0 $0x4  }
0x335: {  	_ =	swait.ge @!p0 [sflag:s0], s1  }
0x336: {  	s1 =	ssub.s32 @!p0 $0x0, s1;
	[sflag:s0] =	ssyncset.done @!p0 $0x0  }
0x337: {  	[sflag:s0] =	ssyncadd.s32 @!p0 s1  }
0x338: {  	[bflag:$0x3] =	sbarrier.arrive $0xFFFF  }
0x339: {  	_ =	shalt  }

</sc_bundles>
